<compile_context>
chip_gen: v7x
topology: tpu7x:2x2x1
jax: 0.10.2.dev20260603
libtpu: 0.0.44.dev20260713+nightly
codegen_flags: <defaults>
</compile_context>

<pallas_src>
import jax
import jax.numpy as jnp
from jax import lax
from jax.experimental import pallas as pl
from jax.experimental.pallas import tpu as pltpu
from jax.experimental.pallas import tpu_sc as plsc

B = 4
S = 2048
NEMBD = 128
NW = 32
POS = S // NW
LANES = 16
NVEC = NEMBD // LANES


def _embd_body(idx_hbm, wte_hbm, wpe_hbm, out_hbm,
               idx_v, rows_v, wpe_v,
               sem_i, sem_w, sem_g, sem_o):
    c = lax.axis_index("c")
    s = lax.axis_index("s")
    wid = s * 2 + c
    pbase = wid * POS

    idx_copies = [
        pltpu.async_copy(idx_hbm.at[b, pl.ds(pbase, POS)], idx_v.at[b], sem_i)
        for b in range(B)
    ]
    wpe_copy = pltpu.async_copy(wpe_hbm.at[pl.ds(pbase, POS)], wpe_v, sem_w)
    for cp in idx_copies:
        cp.wait()

    gathers = [
        pltpu.async_copy(
            wte_hbm.at[idx_v.at[b]], rows_v.at[pl.ds(b * POS, POS)], sem_g
        )
        for b in range(B)
    ]
    wpe_copy.wait()
    for g in gathers:
        g.wait()

    def add_pos(p, carry):
        for j in range(NVEC):
            sl = pl.ds(j * LANES, LANES)
            w = wpe_v[p, sl]
            for b in range(B):
                plsc.addupdate(rows_v.at[b * POS + p, sl], w)
        return carry

    lax.fori_loop(0, POS, add_pos, 0)

    stores = [
        pltpu.async_copy(
            rows_v.at[pl.ds(b * POS, POS)],
            out_hbm.at[pl.ds(b * S + pbase, POS)],
            sem_o,
        )
        for b in range(B)
    ]
    for st in stores:
        st.wait()


@jax.jit
def _embd(idx, wte, wpe):
    mesh = plsc.VectorSubcoreMesh(core_axis_name="c", subcore_axis_name="s")
    return pl.kernel(
        _embd_body,
        out_type=jax.ShapeDtypeStruct((B * S, NEMBD), jnp.float32),
        mesh=mesh,
        scratch_types=[
            pltpu.VMEM((B, POS), jnp.int32),
            pltpu.VMEM((B * POS, NEMBD), jnp.float32),
            pltpu.VMEM((POS, NEMBD), jnp.float32),
        ] + [pltpu.SemaphoreType.DMA] * 4,
    )(idx, wte, wpe)


def kernel(idx, wte, wpe):
    out = _embd(idx.astype(jnp.int32), wte, wpe)
    return out.reshape(B, S, NEMBD)

# --- scband reference (transcript-rebuilt; emitter-appended) ---
"""Pipeline reference for scband-embd-27195732918913 (READ-ONLY COPY).

The authoritative reference and input builder live on the scoring server;
editing this copy changes nothing except your own understanding.
"""

import jax, jax.numpy as jnp
import numpy as np

VOCAB = 100000
BLOCK = 2048
NEMBD = 128
B = 4
S = 2048


def setup_inputs(seed: int = 0) -> dict:
    key = jax.random.key(seed)
    k1, k2, k3 = jax.random.split(key, 3)
    idx = jax.random.randint(k1, (B, S), 0, VOCAB)
    wte = jax.random.normal(k2, (VOCAB, NEMBD), dtype=jnp.float32)
    wpe = jax.random.normal(k3, (BLOCK, NEMBD), dtype=jnp.float32)
    return {"idx": idx, "wte": wte, "wpe": wpe}


def reference(idx, wte, wpe):
    # simple_encode=True path: token embedding + learned positional embedding,
    # dropout p=0.0 is identity.
    seq_len = idx.shape[1]
    pos = jnp.arange(seq_len)
    tok_emb = jnp.take(wte, idx, axis=0)          # [B, S, NEMBD] gather
    pos_emb = jnp.take(wpe, pos, axis=0)[None]    # [1, S, NEMBD]
    emb = tok_emb + pos_emb
    return emb

if __name__ == "__main__":
    import jax
    _d = setup_inputs()
    print(jax.jit(kernel)(*tuple(_d.values())))

</pallas_src>

<mosaic_0001>
#map = affine_map<(d0, d1) -> (0, 0)>
module attributes {stable_mosaic.version = 14 : i64} {
  func.func @_embd_body(%arg0: i32, %arg1: i32, %arg2: memref<4x2048xi32, #tpu.memory_space<hbm>>, %arg3: memref<100000x128xf32, #tpu.memory_space<hbm>>, %arg4: memref<2048x128xf32, #tpu.memory_space<hbm>>, %arg5: memref<8192x128xf32, #tpu.memory_space<hbm>>, %arg6: memref<4x64xi32, #tpu.memory_space<vmem>>, %arg7: memref<256x128xf32, #tpu.memory_space<vmem>>, %arg8: memref<64x128xf32, #tpu.memory_space<vmem>>, %arg9: memref<!tpu.dma_semaphore, #tpu.memory_space<semaphore_mem>>, %arg10: memref<!tpu.dma_semaphore, #tpu.memory_space<semaphore_mem>>, %arg11: memref<!tpu.dma_semaphore, #tpu.memory_space<semaphore_mem>>, %arg12: memref<!tpu.dma_semaphore, #tpu.memory_space<semaphore_mem>>) attributes {dimension_semantics = [#tpu.dimension_semantics<core_parallel>, #tpu.dimension_semantics<subcore_parallel>], iteration_bounds = array<i64: 2, 16>, scalar_prefetch = 0 : i64, scratch_operands = 7 : i64, tpu.core_type = #tpu.core_type<sc_vector_subcore>, window_params = [{transform_indices = #map}, {transform_indices = #map}, {transform_indices = #map}, {transform_indices = #map}]} {
    %mul3A = arith.constant 2 : i32
    %mul3A_0 = arith.muli %arg1, %mul3A : i32
    %add3A = arith.addi %mul3A_0, %arg0 : i32
    %mul3A_1 = arith.constant 64 : i32
    %mul3A_2 = arith.muli %add3A, %mul3A_1 : i32
    %dma_start3A = arith.constant 0 : i32
    %dma_start3A_3 = arith.constant 0 : i32
    %dma_start3A_4 = arith.constant 0 : i32
    %dma_start3A_5 = tpu.memref_slice %arg6[%dma_start3A_3, %dma_start3A_4] : memref<4x64xi32, #tpu.memory_space<vmem>> -> memref<1x64xi32, #tpu.memory_space<vmem>>
    %dma_start3A_6 = tpu.memref_squeeze %dma_start3A_5 : memref<1x64xi32, #tpu.memory_space<vmem>> -> memref<64xi32, #tpu.memory_space<vmem>>
    %dma_start3A_7 = tpu.memref_slice %arg2[%dma_start3A, %mul3A_2] : memref<4x2048xi32, #tpu.memory_space<hbm>> -> memref<1x64xi32, #tpu.memory_space<hbm>>
    %dma_start3A_8 = tpu.memref_squeeze %dma_start3A_7 : memref<1x64xi32, #tpu.memory_space<hbm>> -> memref<64xi32, #tpu.memory_space<hbm>>
    %dma_start3A_9 = arith.constant 0 : i32
    %dma_start3A_10 = tpu.memref_slice %arg6[%dma_start3A_3, %dma_start3A_9] : memref<4x64xi32, #tpu.memory_space<vmem>> -> memref<1x64xi32, #tpu.memory_space<vmem>>
    %dma_start3A_11 = tpu.memref_squeeze %dma_start3A_10 : memref<1x64xi32, #tpu.memory_space<vmem>> -> memref<64xi32, #tpu.memory_space<vmem>>
    %dma_start3A_12 = tpu.memref_slice %arg2[%dma_start3A, %mul3A_2] : memref<4x2048xi32, #tpu.memory_space<hbm>> -> memref<1x64xi32, #tpu.memory_space<hbm>>
    %dma_start3A_13 = tpu.memref_squeeze %dma_start3A_12 : memref<1x64xi32, #tpu.memory_space<hbm>> -> memref<64xi32, #tpu.memory_space<hbm>>
    tpu.enqueue_dma source(%dma_start3A_13 : memref<64xi32, #tpu.memory_space<hbm>>) target(%dma_start3A_11 : memref<64xi32, #tpu.memory_space<vmem>>) target_semaphore(%arg9 : memref<!tpu.dma_semaphore, #tpu.memory_space<semaphore_mem>>)
    %dma_start3A_14 = arith.constant 1 : i32
    %dma_start3A_15 = arith.constant 1 : i32
    %dma_start3A_16 = arith.constant 0 : i32
    %dma_start3A_17 = tpu.memref_slice %arg6[%dma_start3A_15, %dma_start3A_16] : memref<4x64xi32, #tpu.memory_space<vmem>> -> memref<1x64xi32, #tpu.memory_space<vmem>>
    %dma_start3A_18 = tpu.memref_squeeze %dma_start3A_17 : memref<1x64xi32, #tpu.memory_space<vmem>> -> memref<64xi32, #tpu.memory_space<vmem>>
    %dma_start3A_19 = tpu.memref_slice %arg2[%dma_start3A_14, %mul3A_2] : memref<4x2048xi32, #tpu.memory_space<hbm>> -> memref<1x64xi32, #tpu.memory_space<hbm>>
    %dma_start3A_20 = tpu.memref_squeeze %dma_start3A_19 : memref<1x64xi32, #tpu.memory_space<hbm>> -> memref<64xi32, #tpu.memory_space<hbm>>
    %dma_start3A_21 = arith.constant 0 : i32
    %dma_start3A_22 = tpu.memref_slice %arg6[%dma_start3A_15, %dma_start3A_21] : memref<4x64xi32, #tpu.memory_space<vmem>> -> memref<1x64xi32, #tpu.memory_space<vmem>>
    %dma_start3A_23 = tpu.memref_squeeze %dma_start3A_22 : memref<1x64xi32, #tpu.memory_space<vmem>> -> memref<64xi32, #tpu.memory_space<vmem>>
    %dma_start3A_24 = tpu.memref_slice %arg2[%dma_start3A_14, %mul3A_2] : memref<4x2048xi32, #tpu.memory_space<hbm>> -> memref<1x64xi32, #tpu.memory_space<hbm>>
    %dma_start3A_25 = tpu.memref_squeeze %dma_start3A_24 : memref<1x64xi32, #tpu.memory_space<hbm>> -> memref<64xi32, #tpu.memory_space<hbm>>
    tpu.enqueue_dma source(%dma_start3A_25 : memref<64xi32, #tpu.memory_space<hbm>>) target(%dma_start3A_23 : memref<64xi32, #tpu.memory_space<vmem>>) target_semaphore(%arg9 : memref<!tpu.dma_semaphore, #tpu.memory_space<semaphore_mem>>)
    %dma_start3A_26 = arith.constant 2 : i32
    %dma_start3A_27 = arith.constant 2 : i32
    %dma_start3A_28 = arith.constant 0 : i32
    %dma_start3A_29 = tpu.memref_slice %arg6[%dma_start3A_27, %dma_start3A_28] : memref<4x64xi32, #tpu.memory_space<vmem>> -> memref<1x64xi32, #tpu.memory_space<vmem>>
    %dma_start3A_30 = tpu.memref_squeeze %dma_start3A_29 : memref<1x64xi32, #tpu.memory_space<vmem>> -> memref<64xi32, #tpu.memory_space<vmem>>
    %dma_start3A_31 = tpu.memref_slice %arg2[%dma_start3A_26, %mul3A_2] : memref<4x2048xi32, #tpu.memory_space<hbm>> -> memref<1x64xi32, #tpu.memory_space<hbm>>
    %dma_start3A_32 = tpu.memref_squeeze %dma_start3A_31 : memref<1x64xi32, #tpu.memory_space<hbm>> -> memref<64xi32, #tpu.memory_space<hbm>>
    %dma_start3A_33 = arith.constant 0 : i32
    %dma_start3A_34 = tpu.memref_slice %arg6[%dma_start3A_27, %dma_start3A_33] : memref<4x64xi32, #tpu.memory_space<vmem>> -> memref<1x64xi32, #tpu.memory_space<vmem>>
    %dma_start3A_35 = tpu.memref_squeeze %dma_start3A_34 : memref<1x64xi32, #tpu.memory_space<vmem>> -> memref<64xi32, #tpu.memory_space<vmem>>
    %dma_start3A_36 = tpu.memref_slice %arg2[%dma_start3A_26, %mul3A_2] : memref<4x2048xi32, #tpu.memory_space<hbm>> -> memref<1x64xi32, #tpu.memory_space<hbm>>
    %dma_start3A_37 = tpu.memref_squeeze %dma_start3A_36 : memref<1x64xi32, #tpu.memory_space<hbm>> -> memref<64xi32, #tpu.memory_space<hbm>>
    tpu.enqueue_dma source(%dma_start3A_37 : memref<64xi32, #tpu.memory_space<hbm>>) target(%dma_start3A_35 : memref<64xi32, #tpu.memory_space<vmem>>) target_semaphore(%arg9 : memref<!tpu.dma_semaphore, #tpu.memory_space<semaphore_mem>>)
    %dma_start3A_38 = arith.constant 3 : i32
    %dma_start3A_39 = arith.constant 3 : i32
    %dma_start3A_40 = arith.constant 0 : i32
    %dma_start3A_41 = tpu.memref_slice %arg6[%dma_start3A_39, %dma_start3A_40] : memref<4x64xi32, #tpu.memory_space<vmem>> -> memref<1x64xi32, #tpu.memory_space<vmem>>
    %dma_start3A_42 = tpu.memref_squeeze %dma_start3A_41 : memref<1x64xi32, #tpu.memory_space<vmem>> -> memref<64xi32, #tpu.memory_space<vmem>>
    %dma_start3A_43 = tpu.memref_slice %arg2[%dma_start3A_38, %mul3A_2] : memref<4x2048xi32, #tpu.memory_space<hbm>> -> memref<1x64xi32, #tpu.memory_space<hbm>>
    %dma_start3A_44 = tpu.memref_squeeze %dma_start3A_43 : memref<1x64xi32, #tpu.memory_space<hbm>> -> memref<64xi32, #tpu.memory_space<hbm>>
    %dma_start3A_45 = arith.constant 0 : i32
    %dma_start3A_46 = tpu.memref_slice %arg6[%dma_start3A_39, %dma_start3A_45] : memref<4x64xi32, #tpu.memory_space<vmem>> -> memref<1x64xi32, #tpu.memory_space<vmem>>
    %dma_start3A_47 = tpu.memref_squeeze %dma_start3A_46 : memref<1x64xi32, #tpu.memory_space<vmem>> -> memref<64xi32, #tpu.memory_space<vmem>>
    %dma_start3A_48 = tpu.memref_slice %arg2[%dma_start3A_38, %mul3A_2] : memref<4x2048xi32, #tpu.memory_space<hbm>> -> memref<1x64xi32, #tpu.memory_space<hbm>>
    %dma_start3A_49 = tpu.memref_squeeze %dma_start3A_48 : memref<1x64xi32, #tpu.memory_space<hbm>> -> memref<64xi32, #tpu.memory_space<hbm>>
    tpu.enqueue_dma source(%dma_start3A_49 : memref<64xi32, #tpu.memory_space<hbm>>) target(%dma_start3A_47 : memref<64xi32, #tpu.memory_space<vmem>>) target_semaphore(%arg9 : memref<!tpu.dma_semaphore, #tpu.memory_space<semaphore_mem>>)
    %dma_start3A_50 = arith.constant 0 : i32
    %dma_start3A_51 = tpu.memref_slice %arg4[%mul3A_2, %dma_start3A_50] : memref<2048x128xf32, #tpu.memory_space<hbm>> -> memref<64x128xf32, #tpu.memory_space<hbm>>
    %dma_start3A_52 = arith.constant 0 : i32
    %dma_start3A_53 = tpu.memref_slice %arg4[%mul3A_2, %dma_start3A_52] : memref<2048x128xf32, #tpu.memory_space<hbm>> -> memref<64x128xf32, #tpu.memory_space<hbm>>
    tpu.enqueue_dma source(%dma_start3A_53 : memref<64x128xf32, #tpu.memory_space<hbm>>) target(%arg8 : memref<64x128xf32, #tpu.memory_space<vmem>>) target_semaphore(%arg10 : memref<!tpu.dma_semaphore, #tpu.memory_space<semaphore_mem>>)
    %dma_wait3A = arith.constant 0 : i32
    %dma_wait3A_54 = arith.constant 0 : i32
    %dma_wait3A_55 = arith.constant 0 : i32
    %dma_wait3A_56 = tpu.memref_slice %arg6[%dma_wait3A_54, %dma_wait3A_55] : memref<4x64xi32, #tpu.memory_space<vmem>> -> memref<1x64xi32, #tpu.memory_space<vmem>>
    %dma_wait3A_57 = tpu.memref_squeeze %dma_wait3A_56 : memref<1x64xi32, #tpu.memory_space<vmem>> -> memref<64xi32, #tpu.memory_space<vmem>>
    %dma_wait3A_58 = tpu.memref_slice %arg2[%dma_wait3A, %mul3A_2] : memref<4x2048xi32, #tpu.memory_space<hbm>> -> memref<1x64xi32, #tpu.memory_space<hbm>>
    %dma_wait3A_59 = tpu.memref_squeeze %dma_wait3A_58 : memref<1x64xi32, #tpu.memory_space<hbm>> -> memref<64xi32, #tpu.memory_space<hbm>>
    %dma_wait3A_60 = arith.constant 0 : i32
    %dma_wait3A_61 = tpu.memref_slice %arg6[%dma_wait3A_54, %dma_wait3A_60] : memref<4x64xi32, #tpu.memory_space<vmem>> -> memref<1x64xi32, #tpu.memory_space<vmem>>
    %dma_wait3A_62 = tpu.memref_squeeze %dma_wait3A_61 : memref<1x64xi32, #tpu.memory_space<vmem>> -> memref<64xi32, #tpu.memory_space<vmem>>
    %dma_wait3A_63 = tpu.memref_slice %arg2[%dma_wait3A, %mul3A_2] : memref<4x2048xi32, #tpu.memory_space<hbm>> -> memref<1x64xi32, #tpu.memory_space<hbm>>
    %dma_wait3A_64 = tpu.memref_squeeze %dma_wait3A_63 : memref<1x64xi32, #tpu.memory_space<hbm>> -> memref<64xi32, #tpu.memory_space<hbm>>
    tpu.wait_dma2 semaphore(%arg9 : memref<!tpu.dma_semaphore, #tpu.memory_space<semaphore_mem>>) src(%dma_wait3A_64 : memref<64xi32, #tpu.memory_space<hbm>>) dst(%dma_wait3A_62 : memref<64xi32, #tpu.memory_space<vmem>>)
    %dma_wait3A_65 = arith.constant 1 : i32
    %dma_wait3A_66 = arith.constant 1 : i32
    %dma_wait3A_67 = arith.constant 0 : i32
    %dma_wait3A_68 = tpu.memref_slice %arg6[%dma_wait3A_66, %dma_wait3A_67] : memref<4x64xi32, #tpu.memory_space<vmem>> -> memref<1x64xi32, #tpu.memory_space<vmem>>
    %dma_wait3A_69 = tpu.memref_squeeze %dma_wait3A_68 : memref<1x64xi32, #tpu.memory_space<vmem>> -> memref<64xi32, #tpu.memory_space<vmem>>
    %dma_wait3A_70 = tpu.memref_slice %arg2[%dma_wait3A_65, %mul3A_2] : memref<4x2048xi32, #tpu.memory_space<hbm>> -> memref<1x64xi32, #tpu.memory_space<hbm>>
    %dma_wait3A_71 = tpu.memref_squeeze %dma_wait3A_70 : memref<1x64xi32, #tpu.memory_space<hbm>> -> memref<64xi32, #tpu.memory_space<hbm>>
    %dma_wait3A_72 = arith.constant 0 : i32
    %dma_wait3A_73 = tpu.memref_slice %arg6[%dma_wait3A_66, %dma_wait3A_72] : memref<4x64xi32, #tpu.memory_space<vmem>> -> memref<1x64xi32, #tpu.memory_space<vmem>>
    %dma_wait3A_74 = tpu.memref_squeeze %dma_wait3A_73 : memref<1x64xi32, #tpu.memory_space<vmem>> -> memref<64xi32, #tpu.memory_space<vmem>>
    %dma_wait3A_75 = tpu.memref_slice %arg2[%dma_wait3A_65, %mul3A_2] : memref<4x2048xi32, #tpu.memory_space<hbm>> -> memref<1x64xi32, #tpu.memory_space<hbm>>
    %dma_wait3A_76 = tpu.memref_squeeze %dma_wait3A_75 : memref<1x64xi32, #tpu.memory_space<hbm>> -> memref<64xi32, #tpu.memory_space<hbm>>
    tpu.wait_dma2 semaphore(%arg9 : memref<!tpu.dma_semaphore, #tpu.memory_space<semaphore_mem>>) src(%dma_wait3A_76 : memref<64xi32, #tpu.memory_space<hbm>>) dst(%dma_wait3A_74 : memref<64xi32, #tpu.memory_space<vmem>>)
    %dma_wait3A_77 = arith.constant 2 : i32
    %dma_wait3A_78 = arith.constant 2 : i32
    %dma_wait3A_79 = arith.constant 0 : i32
    %dma_wait3A_80 = tpu.memref_slice %arg6[%dma_wait3A_78, %dma_wait3A_79] : memref<4x64xi32, #tpu.memory_space<vmem>> -> memref<1x64xi32, #tpu.memory_space<vmem>>
    %dma_wait3A_81 = tpu.memref_squeeze %dma_wait3A_80 : memref<1x64xi32, #tpu.memory_space<vmem>> -> memref<64xi32, #tpu.memory_space<vmem>>
    %dma_wait3A_82 = tpu.memref_slice %arg2[%dma_wait3A_77, %mul3A_2] : memref<4x2048xi32, #tpu.memory_space<hbm>> -> memref<1x64xi32, #tpu.memory_space<hbm>>
    %dma_wait3A_83 = tpu.memref_squeeze %dma_wait3A_82 : memref<1x64xi32, #tpu.memory_space<hbm>> -> memref<64xi32, #tpu.memory_space<hbm>>
    %dma_wait3A_84 = arith.constant 0 : i32
    %dma_wait3A_85 = tpu.memref_slice %arg6[%dma_wait3A_78, %dma_wait3A_84] : memref<4x64xi32, #tpu.memory_space<vmem>> -> memref<1x64xi32, #tpu.memory_space<vmem>>
    %dma_wait3A_86 = tpu.memref_squeeze %dma_wait3A_85 : memref<1x64xi32, #tpu.memory_space<vmem>> -> memref<64xi32, #tpu.memory_space<vmem>>
    %dma_wait3A_87 = tpu.memref_slice %arg2[%dma_wait3A_77, %mul3A_2] : memref<4x2048xi32, #tpu.memory_space<hbm>> -> memref<1x64xi32, #tpu.memory_space<hbm>>
    %dma_wait3A_88 = tpu.memref_squeeze %dma_wait3A_87 : memref<1x64xi32, #tpu.memory_space<hbm>> -> memref<64xi32, #tpu.memory_space<hbm>>
    tpu.wait_dma2 semaphore(%arg9 : memref<!tpu.dma_semaphore, #tpu.memory_space<semaphore_mem>>) src(%dma_wait3A_88 : memref<64xi32, #tpu.memory_space<hbm>>) dst(%dma_wait3A_86 : memref<64xi32, #tpu.memory_space<vmem>>)
    %dma_wait3A_89 = arith.constant 3 : i32
    %dma_wait3A_90 = arith.constant 3 : i32
    %dma_wait3A_91 = arith.constant 0 : i32
    %dma_wait3A_92 = tpu.memref_slice %arg6[%dma_wait3A_90, %dma_wait3A_91] : memref<4x64xi32, #tpu.memory_space<vmem>> -> memref<1x64xi32, #tpu.memory_space<vmem>>
    %dma_wait3A_93 = tpu.memref_squeeze %dma_wait3A_92 : memref<1x64xi32, #tpu.memory_space<vmem>> -> memref<64xi32, #tpu.memory_space<vmem>>
    %dma_wait3A_94 = tpu.memref_slice %arg2[%dma_wait3A_89, %mul3A_2] : memref<4x2048xi32, #tpu.memory_space<hbm>> -> memref<1x64xi32, #tpu.memory_space<hbm>>
    %dma_wait3A_95 = tpu.memref_squeeze %dma_wait3A_94 : memref<1x64xi32, #tpu.memory_space<hbm>> -> memref<64xi32, #tpu.memory_space<hbm>>
    %dma_wait3A_96 = arith.constant 0 : i32
    %dma_wait3A_97 = tpu.memref_slice %arg6[%dma_wait3A_90, %dma_wait3A_96] : memref<4x64xi32, #tpu.memory_space<vmem>> -> memref<1x64xi32, #tpu.memory_space<vmem>>
    %dma_wait3A_98 = tpu.memref_squeeze %dma_wait3A_97 : memref<1x64xi32, #tpu.memory_space<vmem>> -> memref<64xi32, #tpu.memory_space<vmem>>
    %dma_wait3A_99 = tpu.memref_slice %arg2[%dma_wait3A_89, %mul3A_2] : memref<4x2048xi32, #tpu.memory_space<hbm>> -> memref<1x64xi32, #tpu.memory_space<hbm>>
    %dma_wait3A_100 = tpu.memref_squeeze %dma_wait3A_99 : memref<1x64xi32, #tpu.memory_space<hbm>> -> memref<64xi32, #tpu.memory_space<hbm>>
    tpu.wait_dma2 semaphore(%arg9 : memref<!tpu.dma_semaphore, #tpu.memory_space<semaphore_mem>>) src(%dma_wait3A_100 : memref<64xi32, #tpu.memory_space<hbm>>) dst(%dma_wait3A_98 : memref<64xi32, #tpu.memory_space<vmem>>)
    %dma_start3A_101 = arith.constant 0 : i32
    %dma_start3A_102 = arith.constant 0 : i32
    %dma_start3A_103 = arith.constant 0 : i32
    %dma_start3A_104 = tpu.memref_slice %arg7[%dma_start3A_102, %dma_start3A_103] : memref<256x128xf32, #tpu.memory_space<vmem>> -> memref<64x128xf32, #tpu.memory_space<vmem>>
    %dma_start3A_105 = arith.constant 0 : i32
    %dma_start3A_106 = tpu.memref_slice %arg6[%dma_start3A_101, %dma_start3A_105] : memref<4x64xi32, #tpu.memory_space<vmem>> -> memref<1x64xi32, #tpu.memory_space<vmem>>
    %dma_start3A_107 = tpu.memref_squeeze %dma_start3A_106 : memref<1x64xi32, #tpu.memory_space<vmem>> -> memref<64xi32, #tpu.memory_space<vmem>>
    %dma_start3A_108 = arith.constant 0 : i32
    %dma_start3A_109 = arith.constant 0 : i32
    %dma_start3A_110 = tpu.memref_slice %arg3[%dma_start3A_108, %dma_start3A_109] : memref<100000x128xf32, #tpu.memory_space<hbm>> -> memref<100000x128xf32, #tpu.memory_space<hbm>>
    tpu.enqueue_indirect_dma source(%dma_start3A_110 : memref<100000x128xf32, #tpu.memory_space<hbm>>) target(%dma_start3A_104 : memref<64x128xf32, #tpu.memory_space<vmem>>) offsets(%dma_start3A_107 : memref<64xi32, #tpu.memory_space<vmem>>) semaphore(%arg11 : memref<!tpu.dma_semaphore, #tpu.memory_space<semaphore_mem>>)
    %dma_start3A_111 = arith.constant 1 : i32
    %dma_start3A_112 = arith.constant 64 : i32
    %dma_start3A_113 = arith.constant 0 : i32
    %dma_start3A_114 = tpu.memref_slice %arg7[%dma_start3A_112, %dma_start3A_113] : memref<256x128xf32, #tpu.memory_space<vmem>> -> memref<64x128xf32, #tpu.memory_space<vmem>>
    %dma_start3A_115 = arith.constant 0 : i32
    %dma_start3A_116 = tpu.memref_slice %arg6[%dma_start3A_111, %dma_start3A_115] : memref<4x64xi32, #tpu.memory_space<vmem>> -> memref<1x64xi32, #tpu.memory_space<vmem>>
    %dma_start3A_117 = tpu.memref_squeeze %dma_start3A_116 : memref<1x64xi32, #tpu.memory_space<vmem>> -> memref<64xi32, #tpu.memory_space<vmem>>
    %dma_start3A_118 = arith.constant 0 : i32
    %dma_start3A_119 = arith.constant 0 : i32
    %dma_start3A_120 = tpu.memref_slice %arg3[%dma_start3A_118, %dma_start3A_119] : memref<100000x128xf32, #tpu.memory_space<hbm>> -> memref<100000x128xf32, #tpu.memory_space<hbm>>
    tpu.enqueue_indirect_dma source(%dma_start3A_120 : memref<100000x128xf32, #tpu.memory_space<hbm>>) target(%dma_start3A_114 : memref<64x128xf32, #tpu.memory_space<vmem>>) offsets(%dma_start3A_117 : memref<64xi32, #tpu.memory_space<vmem>>) semaphore(%arg11 : memref<!tpu.dma_semaphore, #tpu.memory_space<semaphore_mem>>)
    %dma_start3A_121 = arith.constant 2 : i32
    %dma_start3A_122 = arith.constant 128 : i32
    %dma_start3A_123 = arith.constant 0 : i32
    %dma_start3A_124 = tpu.memref_slice %arg7[%dma_start3A_122, %dma_start3A_123] : memref<256x128xf32, #tpu.memory_space<vmem>> -> memref<64x128xf32, #tpu.memory_space<vmem>>
    %dma_start3A_125 = arith.constant 0 : i32
    %dma_start3A_126 = tpu.memref_slice %arg6[%dma_start3A_121, %dma_start3A_125] : memref<4x64xi32, #tpu.memory_space<vmem>> -> memref<1x64xi32, #tpu.memory_space<vmem>>
    %dma_start3A_127 = tpu.memref_squeeze %dma_start3A_126 : memref<1x64xi32, #tpu.memory_space<vmem>> -> memref<64xi32, #tpu.memory_space<vmem>>
    %dma_start3A_128 = arith.constant 0 : i32
    %dma_start3A_129 = arith.constant 0 : i32
    %dma_start3A_130 = tpu.memref_slice %arg3[%dma_start3A_128, %dma_start3A_129] : memref<100000x128xf32, #tpu.memory_space<hbm>> -> memref<100000x128xf32, #tpu.memory_space<hbm>>
    tpu.enqueue_indirect_dma source(%dma_start3A_130 : memref<100000x128xf32, #tpu.memory_space<hbm>>) target(%dma_start3A_124 : memref<64x128xf32, #tpu.memory_space<vmem>>) offsets(%dma_start3A_127 : memref<64xi32, #tpu.memory_space<vmem>>) semaphore(%arg11 : memref<!tpu.dma_semaphore, #tpu.memory_space<semaphore_mem>>)
    %dma_start3A_131 = arith.constant 3 : i32
    %dma_start3A_132 = arith.constant 192 : i32
    %dma_start3A_133 = arith.constant 0 : i32
    %dma_start3A_134 = tpu.memref_slice %arg7[%dma_start3A_132, %dma_start3A_133] : memref<256x128xf32, #tpu.memory_space<vmem>> -> memref<64x128xf32, #tpu.memory_space<vmem>>
    %dma_start3A_135 = arith.constant 0 : i32
    %dma_start3A_136 = tpu.memref_slice %arg6[%dma_start3A_131, %dma_start3A_135] : memref<4x64xi32, #tpu.memory_space<vmem>> -> memref<1x64xi32, #tpu.memory_space<vmem>>
    %dma_start3A_137 = tpu.memref_squeeze %dma_start3A_136 : memref<1x64xi32, #tpu.memory_space<vmem>> -> memref<64xi32, #tpu.memory_space<vmem>>
    %dma_start3A_138 = arith.constant 0 : i32
    %dma_start3A_139 = arith.constant 0 : i32
    %dma_start3A_140 = tpu.memref_slice %arg3[%dma_start3A_138, %dma_start3A_139] : memref<100000x128xf32, #tpu.memory_space<hbm>> -> memref<100000x128xf32, #tpu.memory_space<hbm>>
    tpu.enqueue_indirect_dma source(%dma_start3A_140 : memref<100000x128xf32, #tpu.memory_space<hbm>>) target(%dma_start3A_134 : memref<64x128xf32, #tpu.memory_space<vmem>>) offsets(%dma_start3A_137 : memref<64xi32, #tpu.memory_space<vmem>>) semaphore(%arg11 : memref<!tpu.dma_semaphore, #tpu.memory_space<semaphore_mem>>)
    %dma_wait3A_141 = arith.constant 0 : i32
    %dma_wait3A_142 = tpu.memref_slice %arg4[%mul3A_2, %dma_wait3A_141] : memref<2048x128xf32, #tpu.memory_space<hbm>> -> memref<64x128xf32, #tpu.memory_space<hbm>>
    %dma_wait3A_143 = arith.constant 0 : i32
    %dma_wait3A_144 = tpu.memref_slice %arg4[%mul3A_2, %dma_wait3A_143] : memref<2048x128xf32, #tpu.memory_space<hbm>> -> memref<64x128xf32, #tpu.memory_space<hbm>>
    tpu.wait_dma2 semaphore(%arg10 : memref<!tpu.dma_semaphore, #tpu.memory_space<semaphore_mem>>) src(%dma_wait3A_144 : memref<64x128xf32, #tpu.memory_space<hbm>>) dst(%arg8 : memref<64x128xf32, #tpu.memory_space<vmem>>)
    %dma_wait3A_145 = arith.constant 0 : i32
    %dma_wait3A_146 = arith.constant 0 : i32
    %dma_wait3A_147 = arith.constant 0 : i32
    %dma_wait3A_148 = tpu.memref_slice %arg7[%dma_wait3A_146, %dma_wait3A_147] : memref<256x128xf32, #tpu.memory_space<vmem>> -> memref<64x128xf32, #tpu.memory_space<vmem>>
    %dma_wait3A_149 = arith.constant 0 : i32
    %dma_wait3A_150 = tpu.memref_slice %arg6[%dma_wait3A_145, %dma_wait3A_149] : memref<4x64xi32, #tpu.memory_space<vmem>> -> memref<1x64xi32, #tpu.memory_space<vmem>>
    %dma_wait3A_151 = tpu.memref_squeeze %dma_wait3A_150 : memref<1x64xi32, #tpu.memory_space<vmem>> -> memref<64xi32, #tpu.memory_space<vmem>>
    %dma_wait3A_152 = arith.constant 0 : i32
    %dma_wait3A_153 = arith.constant 0 : i32
    %dma_wait3A_154 = tpu.memref_slice %arg3[%dma_wait3A_152, %dma_wait3A_153] : memref<100000x128xf32, #tpu.memory_space<hbm>> -> memref<100000x128xf32, #tpu.memory_space<hbm>>
    tpu.wait_indirect_dma semaphore(%arg11 : memref<!tpu.dma_semaphore, #tpu.memory_space<semaphore_mem>>) src(%dma_wait3A_154 : memref<100000x128xf32, #tpu.memory_space<hbm>>) dst(%dma_wait3A_148 : memref<64x128xf32, #tpu.memory_space<vmem>>)
    %dma_wait3A_155 = arith.constant 1 : i32
    %dma_wait3A_156 = arith.constant 64 : i32
    %dma_wait3A_157 = arith.constant 0 : i32
    %dma_wait3A_158 = tpu.memref_slice %arg7[%dma_wait3A_156, %dma_wait3A_157] : memref<256x128xf32, #tpu.memory_space<vmem>> -> memref<64x128xf32, #tpu.memory_space<vmem>>
    %dma_wait3A_159 = arith.constant 0 : i32
    %dma_wait3A_160 = tpu.memref_slice %arg6[%dma_wait3A_155, %dma_wait3A_159] : memref<4x64xi32, #tpu.memory_space<vmem>> -> memref<1x64xi32, #tpu.memory_space<vmem>>
    %dma_wait3A_161 = tpu.memref_squeeze %dma_wait3A_160 : memref<1x64xi32, #tpu.memory_space<vmem>> -> memref<64xi32, #tpu.memory_space<vmem>>
    %dma_wait3A_162 = arith.constant 0 : i32
    %dma_wait3A_163 = arith.constant 0 : i32
    %dma_wait3A_164 = tpu.memref_slice %arg3[%dma_wait3A_162, %dma_wait3A_163] : memref<100000x128xf32, #tpu.memory_space<hbm>> -> memref<100000x128xf32, #tpu.memory_space<hbm>>
    tpu.wait_indirect_dma semaphore(%arg11 : memref<!tpu.dma_semaphore, #tpu.memory_space<semaphore_mem>>) src(%dma_wait3A_164 : memref<100000x128xf32, #tpu.memory_space<hbm>>) dst(%dma_wait3A_158 : memref<64x128xf32, #tpu.memory_space<vmem>>)
    %dma_wait3A_165 = arith.constant 2 : i32
    %dma_wait3A_166 = arith.constant 128 : i32
    %dma_wait3A_167 = arith.constant 0 : i32
    %dma_wait3A_168 = tpu.memref_slice %arg7[%dma_wait3A_166, %dma_wait3A_167] : memref<256x128xf32, #tpu.memory_space<vmem>> -> memref<64x128xf32, #tpu.memory_space<vmem>>
    %dma_wait3A_169 = arith.constant 0 : i32
    %dma_wait3A_170 = tpu.memref_slice %arg6[%dma_wait3A_165, %dma_wait3A_169] : memref<4x64xi32, #tpu.memory_space<vmem>> -> memref<1x64xi32, #tpu.memory_space<vmem>>
    %dma_wait3A_171 = tpu.memref_squeeze %dma_wait3A_170 : memref<1x64xi32, #tpu.memory_space<vmem>> -> memref<64xi32, #tpu.memory_space<vmem>>
    %dma_wait3A_172 = arith.constant 0 : i32
    %dma_wait3A_173 = arith.constant 0 : i32
    %dma_wait3A_174 = tpu.memref_slice %arg3[%dma_wait3A_172, %dma_wait3A_173] : memref<100000x128xf32, #tpu.memory_space<hbm>> -> memref<100000x128xf32, #tpu.memory_space<hbm>>
    tpu.wait_indirect_dma semaphore(%arg11 : memref<!tpu.dma_semaphore, #tpu.memory_space<semaphore_mem>>) src(%dma_wait3A_174 : memref<100000x128xf32, #tpu.memory_space<hbm>>) dst(%dma_wait3A_168 : memref<64x128xf32, #tpu.memory_space<vmem>>)
    %dma_wait3A_175 = arith.constant 3 : i32
    %dma_wait3A_176 = arith.constant 192 : i32
    %dma_wait3A_177 = arith.constant 0 : i32
    %dma_wait3A_178 = tpu.memref_slice %arg7[%dma_wait3A_176, %dma_wait3A_177] : memref<256x128xf32, #tpu.memory_space<vmem>> -> memref<64x128xf32, #tpu.memory_space<vmem>>
    %dma_wait3A_179 = arith.constant 0 : i32
    %dma_wait3A_180 = tpu.memref_slice %arg6[%dma_wait3A_175, %dma_wait3A_179] : memref<4x64xi32, #tpu.memory_space<vmem>> -> memref<1x64xi32, #tpu.memory_space<vmem>>
    %dma_wait3A_181 = tpu.memref_squeeze %dma_wait3A_180 : memref<1x64xi32, #tpu.memory_space<vmem>> -> memref<64xi32, #tpu.memory_space<vmem>>
    %dma_wait3A_182 = arith.constant 0 : i32
    %dma_wait3A_183 = arith.constant 0 : i32
    %dma_wait3A_184 = tpu.memref_slice %arg3[%dma_wait3A_182, %dma_wait3A_183] : memref<100000x128xf32, #tpu.memory_space<hbm>> -> memref<100000x128xf32, #tpu.memory_space<hbm>>
    tpu.wait_indirect_dma semaphore(%arg11 : memref<!tpu.dma_semaphore, #tpu.memory_space<semaphore_mem>>) src(%dma_wait3A_184 : memref<100000x128xf32, #tpu.memory_space<hbm>>) dst(%dma_wait3A_178 : memref<64x128xf32, #tpu.memory_space<vmem>>)
    %scan3A = arith.constant 0 : i32
    %scan3A_185 = arith.constant 0 : i32
    %scan3A_186 = arith.constant 64 : i32
    %scan3A_187 = arith.addi %scan3A_185, %scan3A_186 : i32
    %scan3A_188 = arith.constant 1 : i32
    scf.for %scan3A_278 = %scan3A_185 to %scan3A_187 step %scan3A_188  : i32 {
      %get3A = arith.index_cast %scan3A_278 : i32 to index
      %get3A_279 = arith.constant 0 : index
      %get3A_280 = tpu.vector_load %arg8[%get3A, %get3A_279] {strides = array<i32>} : memref<64x128xf32, #tpu.memory_space<vmem>>, vector<1x16xf32>,
      %get3A_281 = vector.shape_cast %get3A_280 : vector<1x16xf32> to vector<16xf32>
      %add3A_282 = arith.constant 0 : i32
      %add3A_283 = arith.addi %add3A_282, %scan3A_278 : i32
      %swap3A = arith.index_cast %add3A_283 : i32 to index
      %swap3A_284 = arith.constant 0 : index
      %swap3A_285 = tpu.vector_load %arg7[%swap3A, %swap3A_284] {strides = array<i32>} : memref<256x128xf32, #tpu.memory_space<vmem>>, vector<1x16xf32>,
      %swap3A_286 = vector.shape_cast %swap3A_285 : vector<1x16xf32> to vector<16xf32>
      %swap3A_287 = vector.shape_cast %get3A_281 : vector<16xf32> to vector<1x16xf32>
      tpu.vector_store %arg7[%swap3A, %swap3A_284], %swap3A_287 {add = true, strides = array<i32>} : memref<256x128xf32, #tpu.memory_space<vmem>>, vector<1x16xf32>,
      %add3A_288 = arith.constant 64 : i32
      %add3A_289 = arith.addi %add3A_288, %scan3A_278 : i32
      %swap3A_290 = arith.index_cast %add3A_289 : i32 to index
      %swap3A_291 = arith.constant 0 : index
      %swap3A_292 = tpu.vector_load %arg7[%swap3A_290, %swap3A_291] {strides = array<i32>} : memref<256x128xf32, #tpu.memory_space<vmem>>, vector<1x16xf32>,
      %swap3A_293 = vector.shape_cast %swap3A_292 : vector<1x16xf32> to vector<16xf32>
      %swap3A_294 = vector.shape_cast %get3A_281 : vector<16xf32> to vector<1x16xf32>
      tpu.vector_store %arg7[%swap3A_290, %swap3A_291], %swap3A_294 {add = true, strides = array<i32>} : memref<256x128xf32, #tpu.memory_space<vmem>>, vector<1x16xf32>,
      %add3A_295 = arith.constant 128 : i32
      %add3A_296 = arith.addi %add3A_295, %scan3A_278 : i32
      %swap3A_297 = arith.index_cast %add3A_296 : i32 to index
      %swap3A_298 = arith.constant 0 : index
      %swap3A_299 = tpu.vector_load %arg7[%swap3A_297, %swap3A_298] {strides = array<i32>} : memref<256x128xf32, #tpu.memory_space<vmem>>, vector<1x16xf32>,
      %swap3A_300 = vector.shape_cast %swap3A_299 : vector<1x16xf32> to vector<16xf32>
      %swap3A_301 = vector.shape_cast %get3A_281 : vector<16xf32> to vector<1x16xf32>
      tpu.vector_store %arg7[%swap3A_297, %swap3A_298], %swap3A_301 {add = true, strides = array<i32>} : memref<256x128xf32, #tpu.memory_space<vmem>>, vector<1x16xf32>,
      %add3A_302 = arith.constant 192 : i32
      %add3A_303 = arith.addi %add3A_302, %scan3A_278 : i32
      %swap3A_304 = arith.index_cast %add3A_303 : i32 to index
      %swap3A_305 = arith.constant 0 : index
      %swap3A_306 = tpu.vector_load %arg7[%swap3A_304, %swap3A_305] {strides = array<i32>} : memref<256x128xf32, #tpu.memory_space<vmem>>, vector<1x16xf32>,
      %swap3A_307 = vector.shape_cast %swap3A_306 : vector<1x16xf32> to vector<16xf32>
      %swap3A_308 = vector.shape_cast %get3A_281 : vector<16xf32> to vector<1x16xf32>
      tpu.vector_store %arg7[%swap3A_304, %swap3A_305], %swap3A_308 {add = true, strides = array<i32>} : memref<256x128xf32, #tpu.memory_space<vmem>>, vector<1x16xf32>,
      %get3A_309 = arith.index_cast %scan3A_278 : i32 to index
      %get3A_310 = arith.constant 16 : index
      %get3A_311 = tpu.vector_load %arg8[%get3A_309, %get3A_310] {strides = array<i32>} : memref<64x128xf32, #tpu.memory_space<vmem>>, vector<1x16xf32>,
      %get3A_312 = vector.shape_cast %get3A_311 : vector<1x16xf32> to vector<16xf32>
      %add3A_313 = arith.constant 0 : i32
      %add3A_314 = arith.addi %add3A_313, %scan3A_278 : i32
      %swap3A_315 = arith.index_cast %add3A_314 : i32 to index
      %swap3A_316 = arith.constant 16 : index
      %swap3A_317 = tpu.vector_load %arg7[%swap3A_315, %swap3A_316] {strides = array<i32>} : memref<256x128xf32, #tpu.memory_space<vmem>>, vector<1x16xf32>,
      %swap3A_318 = vector.shape_cast %swap3A_317 : vector<1x16xf32> to vector<16xf32>
      %swap3A_319 = vector.shape_cast %get3A_312 : vector<16xf32> to vector<1x16xf32>
      tpu.vector_store %arg7[%swap3A_315, %swap3A_316], %swap3A_319 {add = true, strides = array<i32>} : memref<256x128xf32, #tpu.memory_space<vmem>>, vector<1x16xf32>,
      %add3A_320 = arith.constant 64 : i32
      %add3A_321 = arith.addi %add3A_320, %scan3A_278 : i32
      %swap3A_322 = arith.index_cast %add3A_321 : i32 to index
      %swap3A_323 = arith.constant 16 : index
      %swap3A_324 = tpu.vector_load %arg7[%swap3A_322, %swap3A_323] {strides = array<i32>} : memref<256x128xf32, #tpu.memory_space<vmem>>, vector<1x16xf32>,
      %swap3A_325 = vector.shape_cast %swap3A_324 : vector<1x16xf32> to vector<16xf32>
      %swap3A_326 = vector.shape_cast %get3A_312 : vector<16xf32> to vector<1x16xf32>
      tpu.vector_store %arg7[%swap3A_322, %swap3A_323], %swap3A_326 {add = true, strides = array<i32>} : memref<256x128xf32, #tpu.memory_space<vmem>>, vector<1x16xf32>,
      %add3A_327 = arith.constant 128 : i32
      %add3A_328 = arith.addi %add3A_327, %scan3A_278 : i32
      %swap3A_329 = arith.index_cast %add3A_328 : i32 to index
      %swap3A_330 = arith.constant 16 : index
      %swap3A_331 = tpu.vector_load %arg7[%swap3A_329, %swap3A_330] {strides = array<i32>} : memref<256x128xf32, #tpu.memory_space<vmem>>, vector<1x16xf32>,
      %swap3A_332 = vector.shape_cast %swap3A_331 : vector<1x16xf32> to vector<16xf32>
      %swap3A_333 = vector.shape_cast %get3A_312 : vector<16xf32> to vector<1x16xf32>
      tpu.vector_store %arg7[%swap3A_329, %swap3A_330], %swap3A_333 {add = true, strides = array<i32>} : memref<256x128xf32, #tpu.memory_space<vmem>>, vector<1x16xf32>,
      %add3A_334 = arith.constant 192 : i32
      %add3A_335 = arith.addi %add3A_334, %scan3A_278 : i32
      %swap3A_336 = arith.index_cast %add3A_335 : i32 to index
      %swap3A_337 = arith.constant 16 : index
      %swap3A_338 = tpu.vector_load %arg7[%swap3A_336, %swap3A_337] {strides = array<i32>} : memref<256x128xf32, #tpu.memory_space<vmem>>, vector<1x16xf32>,
      %swap3A_339 = vector.shape_cast %swap3A_338 : vector<1x16xf32> to vector<16xf32>
      %swap3A_340 = vector.shape_cast %get3A_312 : vector<16xf32> to vector<1x16xf32>
      tpu.vector_store %arg7[%swap3A_336, %swap3A_337], %swap3A_340 {add = true, strides = array<i32>} : memref<256x128xf32, #tpu.memory_space<vmem>>, vector<1x16xf32>,
      %get3A_341 = arith.index_cast %scan3A_278 : i32 to index
      %get3A_342 = arith.constant 32 : index
      %get3A_343 = tpu.vector_load %arg8[%get3A_341, %get3A_342] {strides = array<i32>} : memref<64x128xf32, #tpu.memory_space<vmem>>, vector<1x16xf32>,
      %get3A_344 = vector.shape_cast %get3A_343 : vector<1x16xf32> to vector<16xf32>
      %add3A_345 = arith.constant 0 : i32
      %add3A_346 = arith.addi %add3A_345, %scan3A_278 : i32
      %swap3A_347 = arith.index_cast %add3A_346 : i32 to index
      %swap3A_348 = arith.constant 32 : index
      %swap3A_349 = tpu.vector_load %arg7[%swap3A_347, %swap3A_348] {strides = array<i32>} : memref<256x128xf32, #tpu.memory_space<vmem>>, vector<1x16xf32>,
      %swap3A_350 = vector.shape_cast %swap3A_349 : vector<1x16xf32> to vector<16xf32>
      %swap3A_351 = vector.shape_cast %get3A_344 : vector<16xf32> to vector<1x16xf32>
      tpu.vector_store %arg7[%swap3A_347, %swap3A_348], %swap3A_351 {add = true, strides = array<i32>} : memref<256x128xf32, #tpu.memory_space<vmem>>, vector<1x16xf32>,
      %add3A_352 = arith.constant 64 : i32
      %add3A_353 = arith.addi %add3A_352, %scan3A_278 : i32
      %swap3A_354 = arith.index_cast %add3A_353 : i32 to index
      %swap3A_355 = arith.constant 32 : index
      %swap3A_356 = tpu.vector_load %arg7[%swap3A_354, %swap3A_355] {strides = array<i32>} : memref<256x128xf32, #tpu.memory_space<vmem>>, vector<1x16xf32>,
      %swap3A_357 = vector.shape_cast %swap3A_356 : vector<1x16xf32> to vector<16xf32>
      %swap3A_358 = vector.shape_cast %get3A_344 : vector<16xf32> to vector<1x16xf32>
      tpu.vector_store %arg7[%swap3A_354, %swap3A_355], %swap3A_358 {add = true, strides = array<i32>} : memref<256x128xf32, #tpu.memory_space<vmem>>, vector<1x16xf32>,
      %add3A_359 = arith.constant 128 : i32
      %add3A_360 = arith.addi %add3A_359, %scan3A_278 : i32
      %swap3A_361 = arith.index_cast %add3A_360 : i32 to index
      %swap3A_362 = arith.constant 32 : index
      %swap3A_363 = tpu.vector_load %arg7[%swap3A_361, %swap3A_362] {strides = array<i32>} : memref<256x128xf32, #tpu.memory_space<vmem>>, vector<1x16xf32>,
      %swap3A_364 = vector.shape_cast %swap3A_363 : vector<1x16xf32> to vector<16xf32>
      %swap3A_365 = vector.shape_cast %get3A_344 : vector<16xf32> to vector<1x16xf32>
      tpu.vector_store %arg7[%swap3A_361, %swap3A_362], %swap3A_365 {add = true, strides = array<i32>} : memref<256x128xf32, #tpu.memory_space<vmem>>, vector<1x16xf32>,
      %add3A_366 = arith.constant 192 : i32
      %add3A_367 = arith.addi %add3A_366, %scan3A_278 : i32
      %swap3A_368 = arith.index_cast %add3A_367 : i32 to index
      %swap3A_369 = arith.constant 32 : index
      %swap3A_370 = tpu.vector_load %arg7[%swap3A_368, %swap3A_369] {strides = array<i32>} : memref<256x128xf32, #tpu.memory_space<vmem>>, vector<1x16xf32>,
      %swap3A_371 = vector.shape_cast %swap3A_370 : vector<1x16xf32> to vector<16xf32>
      %swap3A_372 = vector.shape_cast %get3A_344 : vector<16xf32> to vector<1x16xf32>
      tpu.vector_store %arg7[%swap3A_368, %swap3A_369], %swap3A_372 {add = true, strides = array<i32>} : memref<256x128xf32, #tpu.memory_space<vmem>>, vector<1x16xf32>,
      %get3A_373 = arith.index_cast %scan3A_278 : i32 to index
      %get3A_374 = arith.constant 48 : index
      %get3A_375 = tpu.vector_load %arg8[%get3A_373, %get3A_374] {strides = array<i32>} : memref<64x128xf32, #tpu.memory_space<vmem>>, vector<1x16xf32>,
      %get3A_376 = vector.shape_cast %get3A_375 : vector<1x16xf32> to vector<16xf32>
      %add3A_377 = arith.constant 0 : i32
      %add3A_378 = arith.addi %add3A_377, %scan3A_278 : i32
      %swap3A_379 = arith.index_cast %add3A_378 : i32 to index
      %swap3A_380 = arith.constant 48 : index
      %swap3A_381 = tpu.vector_load %arg7[%swap3A_379, %swap3A_380] {strides = array<i32>} : memref<256x128xf32, #tpu.memory_space<vmem>>, vector<1x16xf32>,
      %swap3A_382 = vector.shape_cast %swap3A_381 : vector<1x16xf32> to vector<16xf32>
      %swap3A_383 = vector.shape_cast %get3A_376 : vector<16xf32> to vector<1x16xf32>
      tpu.vector_store %arg7[%swap3A_379, %swap3A_380], %swap3A_383 {add = true, strides = array<i32>} : memref<256x128xf32, #tpu.memory_space<vmem>>, vector<1x16xf32>,
      %add3A_384 = arith.constant 64 : i32
      %add3A_385 = arith.addi %add3A_384, %scan3A_278 : i32
      %swap3A_386 = arith.index_cast %add3A_385 : i32 to index
      %swap3A_387 = arith.constant 48 : index
      %swap3A_388 = tpu.vector_load %arg7[%swap3A_386, %swap3A_387] {strides = array<i32>} : memref<256x128xf32, #tpu.memory_space<vmem>>, vector<1x16xf32>,
      %swap3A_389 = vector.shape_cast %swap3A_388 : vector<1x16xf32> to vector<16xf32>
      %swap3A_390 = vector.shape_cast %get3A_376 : vector<16xf32> to vector<1x16xf32>
      tpu.vector_store %arg7[%swap3A_386, %swap3A_387], %swap3A_390 {add = true, strides = array<i32>} : memref<256x128xf32, #tpu.memory_space<vmem>>, vector<1x16xf32>,
      %add3A_391 = arith.constant 128 : i32
      %add3A_392 = arith.addi %add3A_391, %scan3A_278 : i32
      %swap3A_393 = arith.index_cast %add3A_392 : i32 to index
      %swap3A_394 = arith.constant 48 : index
      %swap3A_395 = tpu.vector_load %arg7[%swap3A_393, %swap3A_394] {strides = array<i32>} : memref<256x128xf32, #tpu.memory_space<vmem>>, vector<1x16xf32>,
      %swap3A_396 = vector.shape_cast %swap3A_395 : vector<1x16xf32> to vector<16xf32>
      %swap3A_397 = vector.shape_cast %get3A_376 : vector<16xf32> to vector<1x16xf32>
      tpu.vector_store %arg7[%swap3A_393, %swap3A_394], %swap3A_397 {add = true, strides = array<i32>} : memref<256x128xf32, #tpu.memory_space<vmem>>, vector<1x16xf32>,
      %add3A_398 = arith.constant 192 : i32
      %add3A_399 = arith.addi %add3A_398, %scan3A_278 : i32
      %swap3A_400 = arith.index_cast %add3A_399 : i32 to index
      %swap3A_401 = arith.constant 48 : index
      %swap3A_402 = tpu.vector_load %arg7[%swap3A_400, %swap3A_401] {strides = array<i32>} : memref<256x128xf32, #tpu.memory_space<vmem>>, vector<1x16xf32>,
      %swap3A_403 = vector.shape_cast %swap3A_402 : vector<1x16xf32> to vector<16xf32>
      %swap3A_404 = vector.shape_cast %get3A_376 : vector<16xf32> to vector<1x16xf32>
      tpu.vector_store %arg7[%swap3A_400, %swap3A_401], %swap3A_404 {add = true, strides = array<i32>} : memref<256x128xf32, #tpu.memory_space<vmem>>, vector<1x16xf32>,
      %get3A_405 = arith.index_cast %scan3A_278 : i32 to index
      %get3A_406 = arith.constant 64 : index
      %get3A_407 = tpu.vector_load %arg8[%get3A_405, %get3A_406] {strides = array<i32>} : memref<64x128xf32, #tpu.memory_space<vmem>>, vector<1x16xf32>,
      %get3A_408 = vector.shape_cast %get3A_407 : vector<1x16xf32> to vector<16xf32>
      %add3A_409 = arith.constant 0 : i32
      %add3A_410 = arith.addi %add3A_409, %scan3A_278 : i32
      %swap3A_411 = arith.index_cast %add3A_410 : i32 to index
      %swap3A_412 = arith.constant 64 : index
      %swap3A_413 = tpu.vector_load %arg7[%swap3A_411, %swap3A_412] {strides = array<i32>} : memref<256x128xf32, #tpu.memory_space<vmem>>, vector<1x16xf32>,
      %swap3A_414 = vector.shape_cast %swap3A_413 : vector<1x16xf32> to vector<16xf32>
      %swap3A_415 = vector.shape_cast %get3A_408 : vector<16xf32> to vector<1x16xf32>
      tpu.vector_store %arg7[%swap3A_411, %swap3A_412], %swap3A_415 {add = true, strides = array<i32>} : memref<256x128xf32, #tpu.memory_space<vmem>>, vector<1x16xf32>,
      %add3A_416 = arith.constant 64 : i32
      %add3A_417 = arith.addi %add3A_416, %scan3A_278 : i32
      %swap3A_418 = arith.index_cast %add3A_417 : i32 to index
      %swap3A_419 = arith.constant 64 : index
      %swap3A_420 = tpu.vector_load %arg7[%swap3A_418, %swap3A_419] {strides = array<i32>} : memref<256x128xf32, #tpu.memory_space<vmem>>, vector<1x16xf32>,
      %swap3A_421 = vector.shape_cast %swap3A_420 : vector<1x16xf32> to vector<16xf32>
      %swap3A_422 = vector.shape_cast %get3A_408 : vector<16xf32> to vector<1x16xf32>
      tpu.vector_store %arg7[%swap3A_418, %swap3A_419], %swap3A_422 {add = true, strides = array<i32>} : memref<256x128xf32, #tpu.memory_space<vmem>>, vector<1x16xf32>,
      %add3A_423 = arith.constant 128 : i32
      %add3A_424 = arith.addi %add3A_423, %scan3A_278 : i32
      %swap3A_425 = arith.index_cast %add3A_424 : i32 to index
      %swap3A_426 = arith.constant 64 : index
      %swap3A_427 = tpu.vector_load %arg7[%swap3A_425, %swap3A_426] {strides = array<i32>} : memref<256x128xf32, #tpu.memory_space<vmem>>, vector<1x16xf32>,
      %swap3A_428 = vector.shape_cast %swap3A_427 : vector<1x16xf32> to vector<16xf32>
      %swap3A_429 = vector.shape_cast %get3A_408 : vector<16xf32> to vector<1x16xf32>
      tpu.vector_store %arg7[%swap3A_425, %swap3A_426], %swap3A_429 {add = true, strides = array<i32>} : memref<256x128xf32, #tpu.memory_space<vmem>>, vector<1x16xf32>,
      %add3A_430 = arith.constant 192 : i32
      %add3A_431 = arith.addi %add3A_430, %scan3A_278 : i32
      %swap3A_432 = arith.index_cast %add3A_431 : i32 to index
      %swap3A_433 = arith.constant 64 : index
      %swap3A_434 = tpu.vector_load %arg7[%swap3A_432, %swap3A_433] {strides = array<i32>} : memref<256x128xf32, #tpu.memory_space<vmem>>, vector<1x16xf32>,
      %swap3A_435 = vector.shape_cast %swap3A_434 : vector<1x16xf32> to vector<16xf32>
      %swap3A_436 = vector.shape_cast %get3A_408 : vector<16xf32> to vector<1x16xf32>
      tpu.vector_store %arg7[%swap3A_432, %swap3A_433], %swap3A_436 {add = true, strides = array<i32>} : memref<256x128xf32, #tpu.memory_space<vmem>>, vector<1x16xf32>,
      %get3A_437 = arith.index_cast %scan3A_278 : i32 to index
      %get3A_438 = arith.constant 80 : index
      %get3A_439 = tpu.vector_load %arg8[%get3A_437, %get3A_438] {strides = array<i32>} : memref<64x128xf32, #tpu.memory_space<vmem>>, vector<1x16xf32>,
      %get3A_440 = vector.shape_cast %get3A_439 : vector<1x16xf32> to vector<16xf32>
      %add3A_441 = arith.constant 0 : i32
      %add3A_442 = arith.addi %add3A_441, %scan3A_278 : i32
      %swap3A_443 = arith.index_cast %add3A_442 : i32 to index
      %swap3A_444 = arith.constant 80 : index
      %swap3A_445 = tpu.vector_load %arg7[%swap3A_443, %swap3A_444] {strides = array<i32>} : memref<256x128xf32, #tpu.memory_space<vmem>>, vector<1x16xf32>,
      %swap3A_446 = vector.shape_cast %swap3A_445 : vector<1x16xf32> to vector<16xf32>
      %swap3A_447 = vector.shape_cast %get3A_440 : vector<16xf32> to vector<1x16xf32>
      tpu.vector_store %arg7[%swap3A_443, %swap3A_444], %swap3A_447 {add = true, strides = array<i32>} : memref<256x128xf32, #tpu.memory_space<vmem>>, vector<1x16xf32>,
      %add3A_448 = arith.constant 64 : i32
      %add3A_449 = arith.addi %add3A_448, %scan3A_278 : i32
      %swap3A_450 = arith.index_cast %add3A_449 : i32 to index
      %swap3A_451 = arith.constant 80 : index
      %swap3A_452 = tpu.vector_load %arg7[%swap3A_450, %swap3A_451] {strides = array<i32>} : memref<256x128xf32, #tpu.memory_space<vmem>>, vector<1x16xf32>,
      %swap3A_453 = vector.shape_cast %swap3A_452 : vector<1x16xf32> to vector<16xf32>
      %swap3A_454 = vector.shape_cast %get3A_440 : vector<16xf32> to vector<1x16xf32>
      tpu.vector_store %arg7[%swap3A_450, %swap3A_451], %swap3A_454 {add = true, strides = array<i32>} : memref<256x128xf32, #tpu.memory_space<vmem>>, vector<1x16xf32>,
      %add3A_455 = arith.constant 128 : i32
      %add3A_456 = arith.addi %add3A_455, %scan3A_278 : i32
      %swap3A_457 = arith.index_cast %add3A_456 : i32 to index
      %swap3A_458 = arith.constant 80 : index
      %swap3A_459 = tpu.vector_load %arg7[%swap3A_457, %swap3A_458] {strides = array<i32>} : memref<256x128xf32, #tpu.memory_space<vmem>>, vector<1x16xf32>,
      %swap3A_460 = vector.shape_cast %swap3A_459 : vector<1x16xf32> to vector<16xf32>
      %swap3A_461 = vector.shape_cast %get3A_440 : vector<16xf32> to vector<1x16xf32>
      tpu.vector_store %arg7[%swap3A_457, %swap3A_458], %swap3A_461 {add = true, strides = array<i32>} : memref<256x128xf32, #tpu.memory_space<vmem>>, vector<1x16xf32>,
      %add3A_462 = arith.constant 192 : i32
      %add3A_463 = arith.addi %add3A_462, %scan3A_278 : i32
      %swap3A_464 = arith.index_cast %add3A_463 : i32 to index
      %swap3A_465 = arith.constant 80 : index
      %swap3A_466 = tpu.vector_load %arg7[%swap3A_464, %swap3A_465] {strides = array<i32>} : memref<256x128xf32, #tpu.memory_space<vmem>>, vector<1x16xf32>,
      %swap3A_467 = vector.shape_cast %swap3A_466 : vector<1x16xf32> to vector<16xf32>
      %swap3A_468 = vector.shape_cast %get3A_440 : vector<16xf32> to vector<1x16xf32>
      tpu.vector_store %arg7[%swap3A_464, %swap3A_465], %swap3A_468 {add = true, strides = array<i32>} : memref<256x128xf32, #tpu.memory_space<vmem>>, vector<1x16xf32>,
      %get3A_469 = arith.index_cast %scan3A_278 : i32 to index
      %get3A_470 = arith.constant 96 : index
      %get3A_471 = tpu.vector_load %arg8[%get3A_469, %get3A_470] {strides = array<i32>} : memref<64x128xf32, #tpu.memory_space<vmem>>, vector<1x16xf32>,
      %get3A_472 = vector.shape_cast %get3A_471 : vector<1x16xf32> to vector<16xf32>
      %add3A_473 = arith.constant 0 : i32
      %add3A_474 = arith.addi %add3A_473, %scan3A_278 : i32
      %swap3A_475 = arith.index_cast %add3A_474 : i32 to index
      %swap3A_476 = arith.constant 96 : index
      %swap3A_477 = tpu.vector_load %arg7[%swap3A_475, %swap3A_476] {strides = array<i32>} : memref<256x128xf32, #tpu.memory_space<vmem>>, vector<1x16xf32>,
      %swap3A_478 = vector.shape_cast %swap3A_477 : vector<1x16xf32> to vector<16xf32>
      %swap3A_479 = vector.shape_cast %get3A_472 : vector<16xf32> to vector<1x16xf32>
      tpu.vector_store %arg7[%swap3A_475, %swap3A_476], %swap3A_479 {add = true, strides = array<i32>} : memref<256x128xf32, #tpu.memory_space<vmem>>, vector<1x16xf32>,
      %add3A_480 = arith.constant 64 : i32
      %add3A_481 = arith.addi %add3A_480, %scan3A_278 : i32
      %swap3A_482 = arith.index_cast %add3A_481 : i32 to index
      %swap3A_483 = arith.constant 96 : index
      %swap3A_484 = tpu.vector_load %arg7[%swap3A_482, %swap3A_483] {strides = array<i32>} : memref<256x128xf32, #tpu.memory_space<vmem>>, vector<1x16xf32>,
      %swap3A_485 = vector.shape_cast %swap3A_484 : vector<1x16xf32> to vector<16xf32>
      %swap3A_486 = vector.shape_cast %get3A_472 : vector<16xf32> to vector<1x16xf32>
      tpu.vector_store %arg7[%swap3A_482, %swap3A_483], %swap3A_486 {add = true, strides = array<i32>} : memref<256x128xf32, #tpu.memory_space<vmem>>, vector<1x16xf32>,
      %add3A_487 = arith.constant 128 : i32
      %add3A_488 = arith.addi %add3A_487, %scan3A_278 : i32
      %swap3A_489 = arith.index_cast %add3A_488 : i32 to index
      %swap3A_490 = arith.constant 96 : index
      %swap3A_491 = tpu.vector_load %arg7[%swap3A_489, %swap3A_490] {strides = array<i32>} : memref<256x128xf32, #tpu.memory_space<vmem>>, vector<1x16xf32>,
      %swap3A_492 = vector.shape_cast %swap3A_491 : vector<1x16xf32> to vector<16xf32>
      %swap3A_493 = vector.shape_cast %get3A_472 : vector<16xf32> to vector<1x16xf32>
      tpu.vector_store %arg7[%swap3A_489, %swap3A_490], %swap3A_493 {add = true, strides = array<i32>} : memref<256x128xf32, #tpu.memory_space<vmem>>, vector<1x16xf32>,
      %add3A_494 = arith.constant 192 : i32
      %add3A_495 = arith.addi %add3A_494, %scan3A_278 : i32
      %swap3A_496 = arith.index_cast %add3A_495 : i32 to index
      %swap3A_497 = arith.constant 96 : index
      %swap3A_498 = tpu.vector_load %arg7[%swap3A_496, %swap3A_497] {strides = array<i32>} : memref<256x128xf32, #tpu.memory_space<vmem>>, vector<1x16xf32>,
      %swap3A_499 = vector.shape_cast %swap3A_498 : vector<1x16xf32> to vector<16xf32>
      %swap3A_500 = vector.shape_cast %get3A_472 : vector<16xf32> to vector<1x16xf32>
      tpu.vector_store %arg7[%swap3A_496, %swap3A_497], %swap3A_500 {add = true, strides = array<i32>} : memref<256x128xf32, #tpu.memory_space<vmem>>, vector<1x16xf32>,
      %get3A_501 = arith.index_cast %scan3A_278 : i32 to index
      %get3A_502 = arith.constant 112 : index
      %get3A_503 = tpu.vector_load %arg8[%get3A_501, %get3A_502] {strides = array<i32>} : memref<64x128xf32, #tpu.memory_space<vmem>>, vector<1x16xf32>,
      %get3A_504 = vector.shape_cast %get3A_503 : vector<1x16xf32> to vector<16xf32>
      %add3A_505 = arith.constant 0 : i32
      %add3A_506 = arith.addi %add3A_505, %scan3A_278 : i32
      %swap3A_507 = arith.index_cast %add3A_506 : i32 to index
      %swap3A_508 = arith.constant 112 : index
      %swap3A_509 = tpu.vector_load %arg7[%swap3A_507, %swap3A_508] {strides = array<i32>} : memref<256x128xf32, #tpu.memory_space<vmem>>, vector<1x16xf32>,
      %swap3A_510 = vector.shape_cast %swap3A_509 : vector<1x16xf32> to vector<16xf32>
      %swap3A_511 = vector.shape_cast %get3A_504 : vector<16xf32> to vector<1x16xf32>
      tpu.vector_store %arg7[%swap3A_507, %swap3A_508], %swap3A_511 {add = true, strides = array<i32>} : memref<256x128xf32, #tpu.memory_space<vmem>>, vector<1x16xf32>,
      %add3A_512 = arith.constant 64 : i32
      %add3A_513 = arith.addi %add3A_512, %scan3A_278 : i32
      %swap3A_514 = arith.index_cast %add3A_513 : i32 to index
      %swap3A_515 = arith.constant 112 : index
      %swap3A_516 = tpu.vector_load %arg7[%swap3A_514, %swap3A_515] {strides = array<i32>} : memref<256x128xf32, #tpu.memory_space<vmem>>, vector<1x16xf32>,
      %swap3A_517 = vector.shape_cast %swap3A_516 : vector<1x16xf32> to vector<16xf32>
      %swap3A_518 = vector.shape_cast %get3A_504 : vector<16xf32> to vector<1x16xf32>
      tpu.vector_store %arg7[%swap3A_514, %swap3A_515], %swap3A_518 {add = true, strides = array<i32>} : memref<256x128xf32, #tpu.memory_space<vmem>>, vector<1x16xf32>,
      %add3A_519 = arith.constant 128 : i32
      %add3A_520 = arith.addi %add3A_519, %scan3A_278 : i32
      %swap3A_521 = arith.index_cast %add3A_520 : i32 to index
      %swap3A_522 = arith.constant 112 : index
      %swap3A_523 = tpu.vector_load %arg7[%swap3A_521, %swap3A_522] {strides = array<i32>} : memref<256x128xf32, #tpu.memory_space<vmem>>, vector<1x16xf32>,
      %swap3A_524 = vector.shape_cast %swap3A_523 : vector<1x16xf32> to vector<16xf32>
      %swap3A_525 = vector.shape_cast %get3A_504 : vector<16xf32> to vector<1x16xf32>
      tpu.vector_store %arg7[%swap3A_521, %swap3A_522], %swap3A_525 {add = true, strides = array<i32>} : memref<256x128xf32, #tpu.memory_space<vmem>>, vector<1x16xf32>,
      %add3A_526 = arith.constant 192 : i32
      %add3A_527 = arith.addi %add3A_526, %scan3A_278 : i32
      %swap3A_528 = arith.index_cast %add3A_527 : i32 to index
      %swap3A_529 = arith.constant 112 : index
      %swap3A_530 = tpu.vector_load %arg7[%swap3A_528, %swap3A_529] {strides = array<i32>} : memref<256x128xf32, #tpu.memory_space<vmem>>, vector<1x16xf32>,
      %swap3A_531 = vector.shape_cast %swap3A_530 : vector<1x16xf32> to vector<16xf32>
      %swap3A_532 = vector.shape_cast %get3A_504 : vector<16xf32> to vector<1x16xf32>
      tpu.vector_store %arg7[%swap3A_528, %swap3A_529], %swap3A_532 {add = true, strides = array<i32>} : memref<256x128xf32, #tpu.memory_space<vmem>>, vector<1x16xf32>,
    }
    %scan3A_189 = arith.constant 64 : i32
    %add3A_190 = arith.constant 0 : i32
    %add3A_191 = arith.addi %add3A_190, %mul3A_2 : i32
    %dma_start3A_192 = arith.constant 0 : i32
    %dma_start3A_193 = arith.constant 0 : i32
    %dma_start3A_194 = tpu.memref_slice %arg7[%dma_start3A_192, %dma_start3A_193] : memref<256x128xf32, #tpu.memory_space<vmem>> -> memref<64x128xf32, #tpu.memory_space<vmem>>
    %dma_start3A_195 = arith.constant 0 : i32
    %dma_start3A_196 = tpu.memref_slice %arg5[%add3A_191, %dma_start3A_195] : memref<8192x128xf32, #tpu.memory_space<hbm>> -> memref<64x128xf32, #tpu.memory_space<hbm>>
    %dma_start3A_197 = arith.constant 0 : i32
    %dma_start3A_198 = tpu.memref_slice %arg5[%add3A_191, %dma_start3A_197] : memref<8192x128xf32, #tpu.memory_space<hbm>> -> memref<64x128xf32, #tpu.memory_space<hbm>>
    %dma_start3A_199 = arith.constant 0 : i32
    %dma_start3A_200 = arith.constant 0 : i32
    %dma_start3A_201 = tpu.memref_slice %arg7[%dma_start3A_199, %dma_start3A_200] : memref<256x128xf32, #tpu.memory_space<vmem>> -> memref<64x128xf32, #tpu.memory_space<vmem>>
    tpu.enqueue_dma source(%dma_start3A_201 : memref<64x128xf32, #tpu.memory_space<vmem>>) target(%dma_start3A_198 : memref<64x128xf32, #tpu.memory_space<hbm>>) target_semaphore(%arg12 : memref<!tpu.dma_semaphore, #tpu.memory_space<semaphore_mem>>)
    %add3A_202 = arith.constant 2048 : i32
    %add3A_203 = arith.addi %add3A_202, %mul3A_2 : i32
    %dma_start3A_204 = arith.constant 64 : i32
    %dma_start3A_205 = arith.constant 0 : i32
    %dma_start3A_206 = tpu.memref_slice %arg7[%dma_start3A_204, %dma_start3A_205] : memref<256x128xf32, #tpu.memory_space<vmem>> -> memref<64x128xf32, #tpu.memory_space<vmem>>
    %dma_start3A_207 = arith.constant 0 : i32
    %dma_start3A_208 = tpu.memref_slice %arg5[%add3A_203, %dma_start3A_207] : memref<8192x128xf32, #tpu.memory_space<hbm>> -> memref<64x128xf32, #tpu.memory_space<hbm>>
    %dma_start3A_209 = arith.constant 0 : i32
    %dma_start3A_210 = tpu.memref_slice %arg5[%add3A_203, %dma_start3A_209] : memref<8192x128xf32, #tpu.memory_space<hbm>> -> memref<64x128xf32, #tpu.memory_space<hbm>>
    %dma_start3A_211 = arith.constant 64 : i32
    %dma_start3A_212 = arith.constant 0 : i32
    %dma_start3A_213 = tpu.memref_slice %arg7[%dma_start3A_211, %dma_start3A_212] : memref<256x128xf32, #tpu.memory_space<vmem>> -> memref<64x128xf32, #tpu.memory_space<vmem>>
    tpu.enqueue_dma source(%dma_start3A_213 : memref<64x128xf32, #tpu.memory_space<vmem>>) target(%dma_start3A_210 : memref<64x128xf32, #tpu.memory_space<hbm>>) target_semaphore(%arg12 : memref<!tpu.dma_semaphore, #tpu.memory_space<semaphore_mem>>)
    %add3A_214 = arith.constant 4096 : i32
    %add3A_215 = arith.addi %add3A_214, %mul3A_2 : i32
    %dma_start3A_216 = arith.constant 128 : i32
    %dma_start3A_217 = arith.constant 0 : i32
    %dma_start3A_218 = tpu.memref_slice %arg7[%dma_start3A_216, %dma_start3A_217] : memref<256x128xf32, #tpu.memory_space<vmem>> -> memref<64x128xf32, #tpu.memory_space<vmem>>
    %dma_start3A_219 = arith.constant 0 : i32
    %dma_start3A_220 = tpu.memref_slice %arg5[%add3A_215, %dma_start3A_219] : memref<8192x128xf32, #tpu.memory_space<hbm>> -> memref<64x128xf32, #tpu.memory_space<hbm>>
    %dma_start3A_221 = arith.constant 0 : i32
    %dma_start3A_222 = tpu.memref_slice %arg5[%add3A_215, %dma_start3A_221] : memref<8192x128xf32, #tpu.memory_space<hbm>> -> memref<64x128xf32, #tpu.memory_space<hbm>>
    %dma_start3A_223 = arith.constant 128 : i32
    %dma_start3A_224 = arith.constant 0 : i32
    %dma_start3A_225 = tpu.memref_slice %arg7[%dma_start3A_223, %dma_start3A_224] : memref<256x128xf32, #tpu.memory_space<vmem>> -> memref<64x128xf32, #tpu.memory_space<vmem>>
    tpu.enqueue_dma source(%dma_start3A_225 : memref<64x128xf32, #tpu.memory_space<vmem>>) target(%dma_start3A_222 : memref<64x128xf32, #tpu.memory_space<hbm>>) target_semaphore(%arg12 : memref<!tpu.dma_semaphore, #tpu.memory_space<semaphore_mem>>)
    %add3A_226 = arith.constant 6144 : i32
    %add3A_227 = arith.addi %add3A_226, %mul3A_2 : i32
    %dma_start3A_228 = arith.constant 192 : i32
    %dma_start3A_229 = arith.constant 0 : i32
    %dma_start3A_230 = tpu.memref_slice %arg7[%dma_start3A_228, %dma_start3A_229] : memref<256x128xf32, #tpu.memory_space<vmem>> -> memref<64x128xf32, #tpu.memory_space<vmem>>
    %dma_start3A_231 = arith.constant 0 : i32
    %dma_start3A_232 = tpu.memref_slice %arg5[%add3A_227, %dma_start3A_231] : memref<8192x128xf32, #tpu.memory_space<hbm>> -> memref<64x128xf32, #tpu.memory_space<hbm>>
    %dma_start3A_233 = arith.constant 0 : i32
    %dma_start3A_234 = tpu.memref_slice %arg5[%add3A_227, %dma_start3A_233] : memref<8192x128xf32, #tpu.memory_space<hbm>> -> memref<64x128xf32, #tpu.memory_space<hbm>>
    %dma_start3A_235 = arith.constant 192 : i32
    %dma_start3A_236 = arith.constant 0 : i32
    %dma_start3A_237 = tpu.memref_slice %arg7[%dma_start3A_235, %dma_start3A_236] : memref<256x128xf32, #tpu.memory_space<vmem>> -> memref<64x128xf32, #tpu.memory_space<vmem>>
    tpu.enqueue_dma source(%dma_start3A_237 : memref<64x128xf32, #tpu.memory_space<vmem>>) target(%dma_start3A_234 : memref<64x128xf32, #tpu.memory_space<hbm>>) target_semaphore(%arg12 : memref<!tpu.dma_semaphore, #tpu.memory_space<semaphore_mem>>)
    %dma_wait3A_238 = arith.constant 0 : i32
    %dma_wait3A_239 = arith.constant 0 : i32
    %dma_wait3A_240 = tpu.memref_slice %arg7[%dma_wait3A_238, %dma_wait3A_239] : memref<256x128xf32, #tpu.memory_space<vmem>> -> memref<64x128xf32, #tpu.memory_space<vmem>>
    %dma_wait3A_241 = arith.constant 0 : i32
    %dma_wait3A_242 = tpu.memref_slice %arg5[%add3A_191, %dma_wait3A_241] : memref<8192x128xf32, #tpu.memory_space<hbm>> -> memref<64x128xf32, #tpu.memory_space<hbm>>
    %dma_wait3A_243 = arith.constant 0 : i32
    %dma_wait3A_244 = tpu.memref_slice %arg5[%add3A_191, %dma_wait3A_243] : memref<8192x128xf32, #tpu.memory_space<hbm>> -> memref<64x128xf32, #tpu.memory_space<hbm>>
    %dma_wait3A_245 = arith.constant 0 : i32
    %dma_wait3A_246 = arith.constant 0 : i32
    %dma_wait3A_247 = tpu.memref_slice %arg7[%dma_wait3A_245, %dma_wait3A_246] : memref<256x128xf32, #tpu.memory_space<vmem>> -> memref<64x128xf32, #tpu.memory_space<vmem>>
    tpu.wait_dma2 semaphore(%arg12 : memref<!tpu.dma_semaphore, #tpu.memory_space<semaphore_mem>>) src(%dma_wait3A_247 : memref<64x128xf32, #tpu.memory_space<vmem>>) dst(%dma_wait3A_244 : memref<64x128xf32, #tpu.memory_space<hbm>>)
    %dma_wait3A_248 = arith.constant 64 : i32
    %dma_wait3A_249 = arith.constant 0 : i32
    %dma_wait3A_250 = tpu.memref_slice %arg7[%dma_wait3A_248, %dma_wait3A_249] : memref<256x128xf32, #tpu.memory_space<vmem>> -> memref<64x128xf32, #tpu.memory_space<vmem>>
    %dma_wait3A_251 = arith.constant 0 : i32
    %dma_wait3A_252 = tpu.memref_slice %arg5[%add3A_203, %dma_wait3A_251] : memref<8192x128xf32, #tpu.memory_space<hbm>> -> memref<64x128xf32, #tpu.memory_space<hbm>>
    %dma_wait3A_253 = arith.constant 0 : i32
    %dma_wait3A_254 = tpu.memref_slice %arg5[%add3A_203, %dma_wait3A_253] : memref<8192x128xf32, #tpu.memory_space<hbm>> -> memref<64x128xf32, #tpu.memory_space<hbm>>
    %dma_wait3A_255 = arith.constant 64 : i32
    %dma_wait3A_256 = arith.constant 0 : i32
    %dma_wait3A_257 = tpu.memref_slice %arg7[%dma_wait3A_255, %dma_wait3A_256] : memref<256x128xf32, #tpu.memory_space<vmem>> -> memref<64x128xf32, #tpu.memory_space<vmem>>
    tpu.wait_dma2 semaphore(%arg12 : memref<!tpu.dma_semaphore, #tpu.memory_space<semaphore_mem>>) src(%dma_wait3A_257 : memref<64x128xf32, #tpu.memory_space<vmem>>) dst(%dma_wait3A_254 : memref<64x128xf32, #tpu.memory_space<hbm>>)
    %dma_wait3A_258 = arith.constant 128 : i32
    %dma_wait3A_259 = arith.constant 0 : i32
    %dma_wait3A_260 = tpu.memref_slice %arg7[%dma_wait3A_258, %dma_wait3A_259] : memref<256x128xf32, #tpu.memory_space<vmem>> -> memref<64x128xf32, #tpu.memory_space<vmem>>
    %dma_wait3A_261 = arith.constant 0 : i32
    %dma_wait3A_262 = tpu.memref_slice %arg5[%add3A_215, %dma_wait3A_261] : memref<8192x128xf32, #tpu.memory_space<hbm>> -> memref<64x128xf32, #tpu.memory_space<hbm>>
    %dma_wait3A_263 = arith.constant 0 : i32
    %dma_wait3A_264 = tpu.memref_slice %arg5[%add3A_215, %dma_wait3A_263] : memref<8192x128xf32, #tpu.memory_space<hbm>> -> memref<64x128xf32, #tpu.memory_space<hbm>>
    %dma_wait3A_265 = arith.constant 128 : i32
    %dma_wait3A_266 = arith.constant 0 : i32
    %dma_wait3A_267 = tpu.memref_slice %arg7[%dma_wait3A_265, %dma_wait3A_266] : memref<256x128xf32, #tpu.memory_space<vmem>> -> memref<64x128xf32, #tpu.memory_space<vmem>>
    tpu.wait_dma2 semaphore(%arg12 : memref<!tpu.dma_semaphore, #tpu.memory_space<semaphore_mem>>) src(%dma_wait3A_267 : memref<64x128xf32, #tpu.memory_space<vmem>>) dst(%dma_wait3A_264 : memref<64x128xf32, #tpu.memory_space<hbm>>)
    %dma_wait3A_268 = arith.constant 192 : i32
    %dma_wait3A_269 = arith.constant 0 : i32
    %dma_wait3A_270 = tpu.memref_slice %arg7[%dma_wait3A_268, %dma_wait3A_269] : memref<256x128xf32, #tpu.memory_space<vmem>> -> memref<64x128xf32, #tpu.memory_space<vmem>>
    %dma_wait3A_271 = arith.constant 0 : i32
    %dma_wait3A_272 = tpu.memref_slice %arg5[%add3A_227, %dma_wait3A_271] : memref<8192x128xf32, #tpu.memory_space<hbm>> -> memref<64x128xf32, #tpu.memory_space<hbm>>
    %dma_wait3A_273 = arith.constant 0 : i32
    %dma_wait3A_274 = tpu.memref_slice %arg5[%add3A_227, %dma_wait3A_273] : memref<8192x128xf32, #tpu.memory_space<hbm>> -> memref<64x128xf32, #tpu.memory_space<hbm>>
    %dma_wait3A_275 = arith.constant 192 : i32
    %dma_wait3A_276 = arith.constant 0 : i32
    %dma_wait3A_277 = tpu.memref_slice %arg7[%dma_wait3A_275, %dma_wait3A_276] : memref<256x128xf32, #tpu.memory_space<vmem>> -> memref<64x128xf32, #tpu.memory_space<vmem>>
    tpu.wait_dma2 semaphore(%arg12 : memref<!tpu.dma_semaphore, #tpu.memory_space<semaphore_mem>>) src(%dma_wait3A_277 : memref<64x128xf32, #tpu.memory_space<vmem>>) dst(%dma_wait3A_274 : memref<64x128xf32, #tpu.memory_space<hbm>>)
    return
  }
}

</mosaic_0001>

<sc_bundles>
// kernel: _embd.3.cloned.1.call-start
scs
__scs_entry_jumppad:
0x0: {  	(pc) =	sbr.rel $0x88, $3  }
0x1: {  	(tag) =	ssettag $0x0;
	lr =	simm.s32 $0x1  }
0x2: {  	[smem:$0x3F9E] =	sst lr;
	_ =	strace $0xD0000000  }
0x3: {  	_ = 	snop  }
0x4: {  	_ = 	snop  }
0x5: {  	_ = 	snop  }
0x6: {  	_ = 	snop  }
0x7: {  	_ = 	snop  }
__scs_overlays_trampoline_lowered:
0x8: {  	[smem:$0x3FAD] =	sst s0  }
0x9: {  	[smem:$0x3FAE] =	sst s1  }
0xa: {  	[smem:$0x3FAF] =	sst s2  }
0xb: {  	[smem:$0x3FB0] =	sst s3  }
0xc: {  	[smem:$0x3FB1] =	sst s4  }
0xd: {  	[smem:$0x3FB2] =	sst s5  }
0xe: {  	[smem:$0x3FB3] =	sst s6  }
0xf: {  	[smem:$0x3FB4] =	sst s7  }
0x10: {  	[smem:$0x3FB5] =	sst s8  }
0x11: {  	[smem:$0x3FB6] =	sst s9;
	s0 =	simm.s32 @!p0 $0x0  }
0x12: {  	s1 =	sld [smem:$0x3F9C];
	s0 =	simm.s32 @p0 $0x1  }
0x13: {  	[smem:$0x3FB7] =	sst s0;
	s0 =	simm.s32 @!p1 $0x0  }
0x14: {  	s2 =	sld [smem:$0x3F9B];
	s0 =	simm.s32 @p1 $0x1  }
0x15: {  	[smem:$0x3FB8] =	sst s0;
	s0 =	simm.s32 @!p2 $0x0  }
0x16: {  	s3 =	sld [smem:$0x3FDB];
	s0 =	simm.s32 @p2 $0x1  }
0x17: {  	s4 =	simm.s32 $0x1BF5;
	[smem:$0x3FBA] =	sst s0  }
0x18: {  	s0 =	sld [smem:$0x3F9D];
	_ =	swait.ge [sflag:s4], $0x0  }
0x19: {  	s7 =	sld [smem:$0x3F9E]  }
0x1a: {  	s8 =	sadd.s32 $0xFFFFE003, lr  }
0x1b: {  	s9 =	sadd.s32 $0xFFFFFEF7, lr;
	s5 =	simm.s32 $0xFFFFFFFF;
	p2 =	slt.u32 s8, $0xFFFFF086  }
0x1c: {  	p1 =	slt.u32 s9, $0xF7A;
	s5 =	simm.s32 @!p2 $0x0  }
0x1d: {  	s5 =	simm.s32 @p1 $0x1;
	p0 =	seq.s32 s7, s2  }
0x1e: {  	s7 =	smul.u32 @!p0 $0xF7A, s2;
	p2 =	seq.s32 @!p0 s5, $0x0  }
0x1f: {  	s9 =	smul.u32 $0xF7A, s1;
	s8 =	simm.s32 @!p0 $0x1BF5;
	p2 =	por !p2, p0  }
0x20: {  	[sflag:s8] =	ssyncset.s32 @!p0 $0xFFFFF086;
	s6 =	sadd.s32 @!p0 s3, s7;
	s7 =	simm.s32 @!p0 $0x108  }
0x21: {  	s3 =	sadd.s32 s3, s9;
	s6 =	sadd.s32 @!p0 $0x88, s6;
	s7 =	simm.s32 @p2 $0x1082  }
0x22: {  	[simem:s7], [sflag:s8] =	dma.local @!p0 [hbm:s6], $0xF7A  }
0x23: {  	s9 =	sor.u32 $0xD0000000, s2;
	s6 =	simm.s32 $0x108;
	_ =	swait.ge @!p0 [sflag:s8], $0x0  }
0x24: {  	s3 =	sadd.s32 $0x88, s3;
	s6 =	simm.s32 @!p1 $0x1082;
	[sflag:s4] =	ssyncset.s32 $0xFFFFF086  }
0x25: {  	[simem:s6], [sflag:s4] =	dma.local [hbm:s3], $0xF7A  }
0x26: {  	[smem:$0x3F9E] =	sst s1;
	(tag) =	ssettag s2;
	_ =	strace s9  }
0x27: {  	s1 =	sld [smem:$0x3FAE]  }
0x28: {  	s2 =	sld [smem:$0x3FAF]  }
0x29: {  	s4 =	sld [smem:$0x3FB1]  }
0x2a: {  	p0 =	seq.s32 s5, $0x0;
	s5 =	sld [smem:$0x3FB2]  }
0x2b: {  	s6 =	sld [smem:$0x3FB3]  }
0x2c: {  	s7 =	sld [smem:$0x3FB4]  }
0x2d: {  	s3 =	simm.s32 $0x108;
	s8 =	sld [smem:$0x3FB5]  }
0x2e: {  	s3 =	simm.s32 @!p0 $0x1082;
	s9 =	sld [smem:$0x3FB6]  }
0x2f: {  	lr =	sadd.s32 s0, s3;
	s0 =	sld [smem:$0x3FAD]  }
0x30: {  	s3 =	sld [smem:$0x3FB0]  }
0x31: {  	[smem:$0x3FB9] =	sst s10  }
0x32: {  	s10 =	sld [smem:$0x3FB7];
	_ =	sdelay $0x3  }
0x33: {  	p0 =	seq.s32 s10, $0x1;
	s10 =	sld [smem:$0x3FB9];
	_ =	sdelay $0x3  }
0x34: {  	[smem:$0x3FB9] =	sst s10  }
0x35: {  	s10 =	sld [smem:$0x3FB8];
	_ =	sdelay $0x3  }
0x36: {  	p1 =	seq.s32 s10, $0x1;
	s10 =	sld [smem:$0x3FB9];
	_ =	sdelay $0x3  }
0x37: {  	[smem:$0x3FB9] =	sst s10  }
0x38: {  	s10 =	sld [smem:$0x3FBA]  }
0x39: {  	_ = 	snop;
	(pc) =	sbr.ind lr, $3  }
0x3a: {  	_ = 	snop  }
0x3b: {  	_ = 	snop  }
0x3c: {  	p2 =	seq.s32 s10, $0x1;
	s10 =	sld [smem:$0x3FB9]  }
0x3d: {  	_ =	shalt  }
0x3e: {  	_ =	shalt  }
0x3f: {  	_ =	shalt  }
0x40: {  	_ =	shalt  }
0x41: {  	_ =	shalt  }
0x42: {  	_ =	shalt  }
0x43: {  	_ =	shalt  }
0x44: {  	_ =	shalt  }
0x45: {  	_ =	shalt  }
0x46: {  	_ =	shalt  }
0x47: {  	_ =	shalt  }
0x48: {  	_ =	shalt  }
0x49: {  	_ =	shalt  }
0x4a: {  	_ =	shalt  }
0x4b: {  	_ =	shalt  }
0x4c: {  	_ =	shalt  }
0x4d: {  	_ =	shalt  }
0x4e: {  	_ =	shalt  }
0x4f: {  	_ =	shalt  }
0x50: {  	_ =	shalt  }
0x51: {  	_ =	shalt  }
0x52: {  	_ =	shalt  }
0x53: {  	_ =	shalt  }
0x54: {  	_ =	shalt  }
0x55: {  	_ =	shalt  }
0x56: {  	_ =	shalt  }
0x57: {  	_ =	shalt  }
0x58: {  	_ =	shalt  }
0x59: {  	_ =	shalt  }
0x5a: {  	_ =	shalt  }
0x5b: {  	_ =	shalt  }
0x5c: {  	_ =	shalt  }
0x5d: {  	_ =	shalt  }
0x5e: {  	_ =	shalt  }
0x5f: {  	_ =	shalt  }
0x60: {  	_ =	shalt  }
0x61: {  	_ =	shalt  }
0x62: {  	_ =	shalt  }
0x63: {  	_ =	shalt  }
0x64: {  	_ =	shalt  }
0x65: {  	_ =	shalt  }
0x66: {  	_ =	shalt  }
0x67: {  	_ =	shalt  }
0x68: {  	_ =	shalt  }
0x69: {  	_ =	shalt  }
0x6a: {  	_ =	shalt  }
0x6b: {  	_ =	shalt  }
0x6c: {  	_ =	shalt  }
0x6d: {  	_ =	shalt  }
0x6e: {  	_ =	shalt  }
0x6f: {  	_ =	shalt  }
0x70: {  	_ =	shalt  }
0x71: {  	_ =	shalt  }
0x72: {  	_ =	shalt  }
0x73: {  	_ =	shalt  }
0x74: {  	_ =	shalt  }
0x75: {  	_ =	shalt  }
0x76: {  	_ =	shalt  }
0x77: {  	_ =	shalt  }
0x78: {  	_ =	shalt  }
0x79: {  	_ =	shalt  }
0x7a: {  	_ =	shalt  }
0x7b: {  	_ =	shalt  }
0x7c: {  	_ =	shalt  }
0x7d: {  	_ =	shalt  }
0x7e: {  	_ =	shalt  }
0x7f: {  	_ =	shalt  }
0x80: {  	_ =	shalt  }
0x81: {  	_ =	shalt  }
0x82: {  	_ =	shalt  }
0x83: {  	_ =	shalt  }
0x84: {  	_ =	shalt  }
0x85: {  	_ =	shalt  }
0x86: {  	_ =	shalt  }
0x87: {  	_ =	shalt  }
.Lfunc_end0:
.L_simem_size_0:
called_computation_lowered:
.L_overlay_start_0:
0x88: {  	s2 =	sld [smem:$0x3FD9]  }
0x89: {  	s3 =	sld [smem:$0x3FFE];
	_ =	sdelay $0x1  }
0x8a: {  	s1 =	srdreg.scid  }
0x8b: {  	s0 =	sand.u32 $0x1, s1  }
0x8c: {  	s18 =	sshll.u32 s0, $0xA;
	s2 =	sadd.s32 s3, s2  }
0x8d: {  	s2 =	sadd.s32 s2, s18  }
0x8e: {  	[smem:$0x3FC5] =	sst s2  }
0x8f: {  	_ = 	snop  }
0x90: {  	s2 =	sld [smem:$0x3FC9]  }
0x91: {  	s19 =	sld [smem:$0x3FC8]  }
0x92: {  	s4 =	sld [smem:$0x3FC7]  }
0x93: {  	s5 =	sld [smem:$0x3FD0];
	(tm) =	ssettm $0x1  }
0x94: {  	s6 =	sld [smem:$0x3FFB];
	_ =	sdelay $0x3  }
0x95: {  	_ =	strace s6  }
0x96: {  	s6 =	sld [smem:$0x3FFC];
	_ =	sdelay $0x3  }
0x97: {  	_ =	strace s6  }
0x98: {  	s6 =	sld [smem:$0x3FFD];
	_ =	sdelay $0x3  }
0x99: {  	_ =	strace s6  }
0x9a: {  	_ =	strace $0x8FFFFFFF  }
0x9b: {  	s20 =	sld [smem:$0x3FDB];
	_ =	sdelay $0x1  }
0x9c: {  	s7 =	simm.s32 $_scs_section_size  }
0x9d: {  	s8 =	simm.s32 $_size__tile_overlayer_lowered;
	s9 =	simm.s32 $_tile_overlayer_lowered  }
0x9e: {  	s23 =	simm.s32 $0x1BFF;
	s22 =	sshll.u32 s9, $0x1;
	s6 =	sadd.s32 s7, s20  }
0x9f: {  	s10 =	simm.s32 $0x0;
	s21 =	sshll.u32 s8, $0x1;
	s8 =	sadd.s32 s22, s6  }
0xa0: {  	[timem:s10], [sflag:s23] =	dma.local [hbm:s8], s21  }
0xa1: {  	_ =	swait.ge [sflag:s23], s21  }
0xa2: {  	s7 =	ssub.s32 $0x0, s21;
	[sflag:s23] =	ssyncset.done $0x0  }
0xa3: {  	[sflag:s23] =	ssyncadd.s32 s7;
	_ =	sdelay $0x1  }
0xa4: {  	s24 =	simm.s32 $0x1B8B  }
0xa5: {  	_ =	swait.ge [sflag:s24], $0x1  }
0xa6: {  	[sflag:s24] =	ssyncset.done $0x0  }
0xa7: {  	s25 =	simm.s32 $0x1B8E;
	[sflag:s24] =	ssyncadd.s32 $0xFFFFFFFF  }
0xa8: {  	s26 =	simm.s32 $execute0_lowered;
	[smem:$0x3FD2] =	sst s25  }
0xa9: {  	s7 =	sshll.u32 s26, $0x1;
	_ =	strace $0x80000046;
	[dreg:$0x1] =	wrdreg $0xFFFFFFFF  }
0xaa: {  	s28 =	simm.s32 $_size_execute0_lowered;
	s6 =	sadd.s32 s6, s7;
	[dreg:$0x0] =	wrdreg $0x0  }
0xab: {  	s7 =	sshll.u32 s28, $0x1;
	[dreg:$0x2] =	wrdreg s6  }
0xac: {  	[dreg:$0x3] =	wrdreg s7  }
0xad: {  	[dreg:$0x4] =	wrdreg $0xC0  }
0xae: {  	_ =	task [dreg:s10], $0x5FFFF  }
0xaf: {  	[dreg:$0x1] =	wrdreg $0xFFFFFFFF  }
0xb0: {  	[dreg:$0x0] =	wrdreg $0x60  }
0xb1: {  	[dreg:$0x2] =	wrdreg s2  }
0xb2: {  	[dreg:$0x3] =	wrdreg s19  }
0xb3: {  	[dreg:$0x4] =	wrdreg s4  }
0xb4: {  	[dreg:$0x5] =	wrdreg s5  }
0xb5: {  	[dreg:$0x6] =	wrdreg $0x9  }
0xb6: {  	_ =	task.clear_ibuf [dreg:s10], $0x7FFFF;
	_ =	strace $0x90000046  }
0xb7: {  	s29 =	simm.s32 $0x9;
	_ =	strace $0x80000048  }
0xb8: {  	_ =	swait.ge [sflag:s29], $0x1  }
0xb9: {  	[sflag:s29] =	ssyncadd.s32 $0xFFFFFFFF  }
0xba: {  	_ =	strace $0x90000048  }
0xbb: {  	_ =	sfence  }
0xbc: {  	s30 =	sld [smem:$0x0];
	_ =	sdelay $0x2  }
0xbd: {  	s31 =	sshll.u32 s1, $0xD;
	s1 =	sshrl.u32 s1, $0x2  }
0xbe: {  	s3 =	sand.u32 $0x4000, s31;
	s1 =	sadd.s32 s1, s30  }
0xbf: {  	s0 =	sor.u32 s3, s0;
	s1 =	sshll.u32 s1, $0x11  }
0xc0: {  	s0 =	sor.u32 s1, s0  }
0xc1: {  	s0 =	sadd.s32 $0x8F2B, s0  }
0xc2: {  	[sflag:s0] =	ssyncadd.remote.s32 $0x1  }
0xc3: {  	_ =	sfence.sel $0xFFFF  }
0xc4: {  	[dreg:$0x0] =	wrdreg $0xFFFFFFFF;
	(pc) =	sbr.abs _section_cstart, $3  }
0xc5: {  	[dreg:$0x1] =	wrdreg $0xFFFFFFFF  }
0xc6: {  	_ =	task.clear_ibuf [dreg:s10], $0x2FFFF;
	_ =	strace $0x9FFFFFFF  }
0xc7: {  	(tm) =	ssettm $0x7FFFFFFF  }
tec
execute0_lowered:
.L_overlay_start_1:
0x0: {  	(tag) =	ssettag $0x1  }
0x1: {  	s7 =	rddreg [dreg:$0x0]  }
0x2: {  	s2 =	srdreg.scid;
	s1 =	rddreg [dreg:$0x1]  }
0x3: {  	s0 =	stileid.u32;
	s8 =	rddreg [dreg:$0x2]  }
0x4: {  	s9 =	rddreg [dreg:$0x3];
	s3 =	simm.s32 $0x0;
	s14 =	simm.s32 $0x80  }
0x5: {  	s15 =	simm.s32 $0x100;
	s16 =	simm.s32 $0x180;
	s17 =	simm.s32 $0x8200  }
0x6: {  	s18 =	simm.s32 $0x1;
	s19 =	simm.s32 $0x40;
	s20 =	simm.s32 $0x200  }
0x7: {  	s21 =	simm.s32 $0x2200;
	s22 =	simm.s32 $0x4200;
	s23 =	simm.s32 $0x6200  }
0x8: {  	s24 =	simm.s32 $0x2;
	s4 =	sand.u32 $0x1, s2;
	s2 =	rddreg [dreg:$0x4]  }
0x9: {  	s28 =	simm.s32 $0x0;
	s25 =	sshll.u32 s0, $0x7;
	[smem:$0x7FF] =	sst s3  }
0xa: {  	s5 =	sshll.u32 s4, $0x6;
	_ =	strace $0x80000047;
	s12 =	ssub.s32 $0x2, s4  }
0xb: {  	s10 =	sor.u32 s5, s25;
	s29 =	sshrl.u32 s12, $0x1;
	s25 =	simm.s32 $0x3  }
0xc: {  	s6 =	sshll.u32 s10, $0x2;
	s13 =	ssub.s32 s12, s29;
	s10 =	sshll.u32 s10, $0x4  }
0xd: {  	s11 =	sand.u32 $0x1E00, s6;
	s8 =	sadd.s32 s8, s10;
	s9 =	sadd.s32 s9, s10  }
0xe: {  	s13 =	smax.u32 s13, $0x1;
	s11 =	sor.u32 s5, s11;
	s5 =	sor.u32 s5, s6  }
0xf: {  	s10 =	sadd.s32 $0x8000, s9;
	s26 =	sshrl.u32 s11, $0x3;
	s30 =	sshrl.u32 s5, $0x3  }
0x10: {  	s12 =	sadd.s32 $0x18000, s9;
	s4 =	sadd.s32 s7, s26;
	s31 =	sor.u32 $0x20, s30  }
0x11: {  	s11 =	sor.u32 $0x30, s30;
	s26 =	simm.s32 $0x4;
	s5 =	sadd.s32 $0x10, s4  }
0x12: {  	s6 =	sadd.s32 s7, s31;
	s7 =	sadd.s32 s7, s11;
	s11 =	sadd.s32 $0x10000, s9  }
.LBB2_1:
0x13: {  	[tilespmem:s3], [sflag:$0x1] =	stream.linear.gather [hbm4b:s4+s3], $0x40, $0x38;
	[tilespmem:$0xA200] =	vst v63  }
0x14: {  	_ = 	snop  }
0x15: {  	[tilespmem:s14], [sflag:$0x1] =	stream.linear.gather [hbm4b:s5+s3], $0x40, $0x38;
	[tilespmem:$0xA200] =	vst v63  }
0x16: {  	_ = 	snop  }
0x17: {  	[tilespmem:s15], [sflag:$0x1] =	stream.linear.gather [hbm4b:s6+s3], $0x40, $0x38;
	[tilespmem:$0xA200] =	vst v63  }
0x18: {  	_ = 	snop  }
0x19: {  	[tilespmem:s16], [sflag:$0x1] =	stream.linear.gather [hbm4b:s7+s3], $0x40, $0x38;
	[tilespmem:$0xA200] =	vst v63  }
0x1a: {  	_ = 	snop  }
0x1b: {  	[tilespmem:s17], [sflag:$0x2] =	stream.linear.gather [hbm4b:s8+s3], $0x2000, $0x38;
	[tilespmem:$0xA200] =	vst v63  }
0x1c: {  	_ =	swait.ge [sflag:s18], $0x40  }
0x1d: {  	[sflag:s18] =	ssyncset.done $0x0  }
0x1e: {  	[sflag:s18] =	ssyncadd.s32 $0xFFFFFFC0  }
0x1f: {  	_ =	swait.ge [sflag:s18], $0x40  }
0x20: {  	[sflag:s18] =	ssyncset.done $0x0  }
0x21: {  	[sflag:s18] =	ssyncadd.s32 $0xFFFFFFC0  }
0x22: {  	_ =	swait.ge [sflag:s18], $0x40  }
0x23: {  	[sflag:s18] =	ssyncset.done $0x0  }
0x24: {  	[sflag:s18] =	ssyncadd.s32 $0xFFFFFFC0  }
0x25: {  	_ =	swait.ge [sflag:s18], $0x40  }
0x26: {  	[sflag:s18] =	ssyncset.done $0x0  }
0x27: {  	[sflag:s18] =	ssyncadd.s32 $0xFFFFFFC0  }
0x28: {  	[tilespmem:s20], [sflag:$0x3] =	stream.indirect.gather [hbm4b:s1+s19], $0x80, s3, s19, $0xb8;
	[tilespmem:$0xA200] =	vst v63  }
0x29: {  	_ = 	snop  }
0x2a: {  	[tilespmem:s21], [sflag:$0x3] =	stream.indirect.gather [hbm4b:s1+s19], $0x80, s14, s19, $0xb8;
	[tilespmem:$0xA200] =	vst v63  }
0x2b: {  	_ = 	snop  }
0x2c: {  	[tilespmem:s22], [sflag:$0x3] =	stream.indirect.gather [hbm4b:s1+s19], $0x80, s15, s19, $0xb8;
	[tilespmem:$0xA200] =	vst v63  }
0x2d: {  	_ = 	snop  }
0x2e: {  	[tilespmem:s23], [sflag:$0x3] =	stream.indirect.gather [hbm4b:s1+s19], $0x80, s16, s19, $0xb8;
	[tilespmem:$0xA200] =	vst v63  }
0x2f: {  	_ =	swait.ge [sflag:s24], $0x2000  }
0x30: {  	[sflag:s24] =	ssyncset.done $0x0  }
0x31: {  	[sflag:s24] =	ssyncadd.s32 $0xFFFFE000  }
0x32: {  	_ =	swait.ge [sflag:s25], $0x2000  }
0x33: {  	[sflag:s25] =	ssyncset.done $0x0  }
0x34: {  	[sflag:s25] =	ssyncadd.s32 $0xFFFFE000  }
0x35: {  	_ =	swait.ge [sflag:s25], $0x2000  }
0x36: {  	[sflag:s25] =	ssyncset.done $0x0  }
0x37: {  	[sflag:s25] =	ssyncadd.s32 $0xFFFFE000  }
0x38: {  	_ =	swait.ge [sflag:s25], $0x2000  }
0x39: {  	[sflag:s25] =	ssyncset.done $0x0  }
0x3a: {  	[sflag:s25] =	ssyncadd.s32 $0xFFFFE000  }
0x3b: {  	_ =	swait.ge [sflag:s25], $0x2000  }
0x3c: {  	[sflag:s25] =	ssyncset.done $0x0  }
0x3d: {  	s29 =	simm.s32 $0x0;
	s30 =	simm.s32 $0x200;
	[sflag:s25] =	ssyncadd.s32 $0xFFFFE000  }
.LBB2_2:
0x3e: {  	p0 =	sne.s32 s30, $0x7E00;
	v0 =	vld [tilespmem:s29+$0x8270]  }
0x3f: {  	v1 =	vld [tilespmem:s29+$0x8200]  }
0x40: {  	v2 =	vld [tilespmem:s29+$0x8210]  }
0x41: {  	v3 =	vld [tilespmem:s29+$0x8220]  }
0x42: {  	v4 =	vld [tilespmem:s29+$0x8230]  }
0x43: {  	[tilespmem:s29+$0x6270] =	vst.add.f32.msk $0xffff, v0  }
0x44: {  	v5 =	vld [tilespmem:s29+$0x8240]  }
0x45: {  	v6 =	vld [tilespmem:s29+$0x8250]  }
0x46: {  	v7 =	vld [tilespmem:s29+$0x8260]  }
0x47: {  	[tilespmem:s29+$0x200] =	vst.add.f32.msk $0xffff, v1  }
0x48: {  	[tilespmem:s29+$0x2200] =	vst.add.f32.msk $0xffff, v1  }
0x49: {  	[tilespmem:s29+$0x4200] =	vst.add.f32.msk $0xffff, v1  }
0x4a: {  	[tilespmem:s29+$0x6200] =	vst.add.f32.msk $0xffff, v1  }
0x4b: {  	[tilespmem:s29+$0x210] =	vst.add.f32.msk $0xffff, v2  }
0x4c: {  	[tilespmem:s29+$0x2210] =	vst.add.f32.msk $0xffff, v2  }
0x4d: {  	[tilespmem:s29+$0x4210] =	vst.add.f32.msk $0xffff, v2  }
0x4e: {  	[tilespmem:s29+$0x6210] =	vst.add.f32.msk $0xffff, v2  }
0x4f: {  	[tilespmem:s29+$0x220] =	vst.add.f32.msk $0xffff, v3  }
0x50: {  	[tilespmem:s29+$0x2220] =	vst.add.f32.msk $0xffff, v3  }
0x51: {  	[tilespmem:s29+$0x4220] =	vst.add.f32.msk $0xffff, v3  }
0x52: {  	[tilespmem:s29+$0x6220] =	vst.add.f32.msk $0xffff, v3  }
0x53: {  	[tilespmem:s29+$0x230] =	vst.add.f32.msk $0xffff, v4  }
0x54: {  	[tilespmem:s29+$0x2230] =	vst.add.f32.msk $0xffff, v4  }
0x55: {  	[tilespmem:s29+$0x4230] =	vst.add.f32.msk $0xffff, v4  }
0x56: {  	[tilespmem:s29+$0x6230] =	vst.add.f32.msk $0xffff, v4  }
0x57: {  	[tilespmem:s29+$0x240] =	vst.add.f32.msk $0xffff, v5  }
0x58: {  	[tilespmem:s29+$0x2240] =	vst.add.f32.msk $0xffff, v5  }
0x59: {  	[tilespmem:s29+$0x4240] =	vst.add.f32.msk $0xffff, v5  }
0x5a: {  	[tilespmem:s29+$0x6240] =	vst.add.f32.msk $0xffff, v5  }
0x5b: {  	[tilespmem:s29+$0x250] =	vst.add.f32.msk $0xffff, v6  }
0x5c: {  	[tilespmem:s29+$0x2250] =	vst.add.f32.msk $0xffff, v6  }
0x5d: {  	[tilespmem:s29+$0x4250] =	vst.add.f32.msk $0xffff, v6  }
0x5e: {  	[tilespmem:s29+$0x6250] =	vst.add.f32.msk $0xffff, v6  }
0x5f: {  	[tilespmem:s29+$0x260] =	vst.add.f32.msk $0xffff, v7  }
0x60: {  	[tilespmem:s29+$0x2260] =	vst.add.f32.msk $0xffff, v7  }
.Ltmp0:
0x61: {  	[tilespmem:s29+$0x4260] =	vst.add.f32.msk $0xffff, v7;
	(pc) =	sbr.rel @p0 .LBB2_2-.Ltmp0, $4  }
0x62: {  	[tilespmem:s29+$0x6260] =	vst.add.f32.msk $0xffff, v7  }
0x63: {  	[tilespmem:s29+$0x270] =	vst.add.f32.msk $0xffff, v0  }
0x64: {  	[tilespmem:s29+$0x2270] =	vst.add.f32.msk $0xffff, v0  }
0x65: {  	[tilespmem:s29+$0x4270] =	vst.add.f32.msk $0xffff, v0;
	s29 =	sshra.s32 s30, $0x2;
	s30 =	sadd.s32 $0x200, s30  }
0x66: {  	v0 =	vld [tilespmem:s29+$0x8270]  }
0x67: {  	v1 =	vld [tilespmem:s29+$0x8200]  }
0x68: {  	v2 =	vld [tilespmem:s29+$0x8210]  }
0x69: {  	v3 =	vld [tilespmem:s29+$0x8220]  }
0x6a: {  	v4 =	vld [tilespmem:s29+$0x8230]  }
0x6b: {  	v5 =	vld [tilespmem:s29+$0x8240]  }
0x6c: {  	v6 =	vld [tilespmem:s29+$0x8250]  }
0x6d: {  	v7 =	vld [tilespmem:s29+$0x8260]  }
0x6e: {  	[tilespmem:s29+$0x6270] =	vst.add.f32.msk $0xffff, v0  }
0x6f: {  	[tilespmem:s29+$0x200] =	vst.add.f32.msk $0xffff, v1  }
0x70: {  	[tilespmem:s29+$0x2200] =	vst.add.f32.msk $0xffff, v1  }
0x71: {  	[tilespmem:s29+$0x4200] =	vst.add.f32.msk $0xffff, v1  }
0x72: {  	[tilespmem:s29+$0x6200] =	vst.add.f32.msk $0xffff, v1  }
0x73: {  	[tilespmem:s29+$0x210] =	vst.add.f32.msk $0xffff, v2  }
0x74: {  	[tilespmem:s29+$0x2210] =	vst.add.f32.msk $0xffff, v2  }
0x75: {  	[tilespmem:s29+$0x4210] =	vst.add.f32.msk $0xffff, v2  }
0x76: {  	[tilespmem:s29+$0x6210] =	vst.add.f32.msk $0xffff, v2  }
0x77: {  	[tilespmem:s29+$0x220] =	vst.add.f32.msk $0xffff, v3  }
0x78: {  	[tilespmem:s29+$0x2220] =	vst.add.f32.msk $0xffff, v3  }
0x79: {  	[tilespmem:s29+$0x4220] =	vst.add.f32.msk $0xffff, v3  }
0x7a: {  	[tilespmem:s29+$0x6220] =	vst.add.f32.msk $0xffff, v3  }
0x7b: {  	[tilespmem:s29+$0x230] =	vst.add.f32.msk $0xffff, v4  }
0x7c: {  	[tilespmem:s29+$0x2230] =	vst.add.f32.msk $0xffff, v4  }
0x7d: {  	[tilespmem:s29+$0x4230] =	vst.add.f32.msk $0xffff, v4  }
0x7e: {  	[tilespmem:s29+$0x6230] =	vst.add.f32.msk $0xffff, v4  }
0x7f: {  	[tilespmem:s29+$0x240] =	vst.add.f32.msk $0xffff, v5  }
0x80: {  	[tilespmem:s29+$0x2240] =	vst.add.f32.msk $0xffff, v5  }
0x81: {  	[tilespmem:s29+$0x4240] =	vst.add.f32.msk $0xffff, v5  }
0x82: {  	[tilespmem:s29+$0x6240] =	vst.add.f32.msk $0xffff, v5  }
0x83: {  	[tilespmem:s29+$0x250] =	vst.add.f32.msk $0xffff, v6  }
0x84: {  	[tilespmem:s29+$0x2250] =	vst.add.f32.msk $0xffff, v6  }
0x85: {  	[tilespmem:s29+$0x4250] =	vst.add.f32.msk $0xffff, v6  }
0x86: {  	[tilespmem:s29+$0x6250] =	vst.add.f32.msk $0xffff, v6  }
0x87: {  	[tilespmem:s29+$0x260] =	vst.add.f32.msk $0xffff, v7  }
0x88: {  	[tilespmem:s29+$0x2260] =	vst.add.f32.msk $0xffff, v7  }
0x89: {  	[tilespmem:s29+$0x4260] =	vst.add.f32.msk $0xffff, v7  }
0x8a: {  	[tilespmem:s29+$0x6260] =	vst.add.f32.msk $0xffff, v7  }
0x8b: {  	[tilespmem:s29+$0x270] =	vst.add.f32.msk $0xffff, v0  }
0x8c: {  	[tilespmem:s29+$0x2270] =	vst.add.f32.msk $0xffff, v0  }
0x8d: {  	[tilespmem:s29+$0x4270] =	vst.add.f32.msk $0xffff, v0  }
0x8e: {  	[hbm4b:s9+s3] =	stream.linear.scatter [tilespmem:s20], [sflag:$0x4], $0x2000, $0x38;
	[tilespmem:$0xA200] =	vst v63  }
0x8f: {  	_ = 	snop  }
0x90: {  	[hbm4b:s10+s3] =	stream.linear.scatter [tilespmem:s21], [sflag:$0x4], $0x2000, $0x38;
	[tilespmem:$0xA200] =	vst v63  }
0x91: {  	_ = 	snop  }
0x92: {  	[hbm4b:s11+s3] =	stream.linear.scatter [tilespmem:s22], [sflag:$0x4], $0x2000, $0x38;
	[tilespmem:$0xA200] =	vst v63  }
0x93: {  	_ = 	snop  }
0x94: {  	[hbm4b:s12+s3] =	stream.linear.scatter [tilespmem:s23], [sflag:$0x4], $0x2000, $0x38;
	[tilespmem:$0xA200] =	vst v63  }
0x95: {  	_ =	swait.ge [sflag:s26], $0x2000  }
0x96: {  	[sflag:s26] =	ssyncset.done $0x0  }
0x97: {  	[sflag:s26] =	ssyncadd.s32 $0xFFFFE000  }
0x98: {  	_ =	swait.ge [sflag:s26], $0x2000  }
0x99: {  	[sflag:s26] =	ssyncset.done $0x0  }
0x9a: {  	s28 =	sadd.s32 $0x1, s28;
	[sflag:s26] =	ssyncadd.s32 $0xFFFFE000  }
0x9b: {  	p0 =	sne.s32 s28, s13;
	_ =	swait.ge [sflag:s26], $0x2000  }
.Ltmp1:
0x9c: {  	[sflag:s26] =	ssyncset.done $0x0;
	(pc) =	sbr.rel @p0 .LBB2_1-.Ltmp1, $4  }
0x9d: {  	[sflag:s26] =	ssyncadd.s32 $0xFFFFE000  }
0x9e: {  	_ =	swait.ge [sflag:s26], $0x2000  }
0x9f: {  	[sflag:s26] =	ssyncset.done $0x0  }
0xa0: {  	[sflag:s26] =	ssyncadd.s32 $0xFFFFE000  }
0xa1: {  	_ =	sfence.sel $0x180000  }
0xa2: {  	[bflag:$0x0] =	sbarrier.arrive $0xFFFF  }
0xa3: {  	p0 =	sne.s32 s0, $0x0;
	_ =	strace $0x90000047  }
0xa4: {  	s0 =	sadd.s32 @!p0 $0x100000, s2;
	[bflag:$0x2] =	sbarrier.arrive $0xFFFF  }
0xa5: {  	[sflag:s0] =	ssyncadd.tile.s32 @!p0 $0x1;
	_ =	shalt  }
.Lfunc_end2:
_tile_overlayer_lowered:
.L_overlay_start_2:
0xa6: {  	(tag) =	ssettag $0x2  }
0xa7: {  	s0 =	rddreg [dreg:$0x0];
	s2 =	stileid.u32  }
0xa8: {  	s1 =	rddreg [dreg:$0x1];
	p0 =	sne.s32 s2, $0x0  }
0xa9: {  	s3 =	rddreg [dreg:$0x2];
	[bflag:$0x3] =	sbarrier.arrive $0xFFFF;
	s2 =	simm.s32 @!p0 $0x1C05  }
0xaa: {  	[timem:s3], [sflag:s2] =	dma.local @!p0 [hbm:s0], s1  }
0xab: {  	s0 =	simm.s32 @!p0 $0x5  }
0xac: {  	_ =	swait.ge @!p0 [sflag:s0], s1  }
0xad: {  	s1 =	ssub.s32 @!p0 $0x0, s1;
	[sflag:s0] =	ssyncset.done @!p0 $0x0  }
0xae: {  	[sflag:s0] =	ssyncadd.s32 @!p0 s1  }
0xaf: {  	[bflag:$0x3] =	sbarrier.arrive $0xFFFF  }
0xb0: {  	_ =	shalt  }

</sc_bundles>
